<compile_context>
chip_gen: v7x
topology: tpu7x:2x2x1
jax: 0.10.2.dev20260603
libtpu: 0.0.44.dev20260713+nightly
codegen_flags: <defaults>
</compile_context>

<pallas_src>
import jax
import jax.numpy as jnp
from jax.experimental import pallas as pl
from jax.experimental.pallas import tpu as pltpu

_IMG_H, _IMG_W = 800.0, 800.0
_PRE_NMS = 2000
_POST_NMS = 1000
_NMS_THRESH = 0.7
_N_PAD = 2048
_TILE = 128
_N_TILES = _N_PAD // _TILE
_BATCH_DIMS = (((2,), (1,)), ((0,), (0,)))


def _iou(ax1, ay1, ax2, ay2, a_area, bx1, by1, bx2, by2, b_area):
    lt_x = jnp.maximum(ax1, bx1)
    lt_y = jnp.maximum(ay1, by1)
    rb_x = jnp.minimum(ax2, bx2)
    rb_y = jnp.minimum(ay2, by2)
    w = jnp.clip(rb_x - lt_x, 0.0)
    h = jnp.clip(rb_y - lt_y, 0.0)
    inter = w * h
    return inter / (a_area + b_area - inter + 1e-9)


def _nms_tile_kernel(cx1, cy1, cx2, cy2,
                     rx1, ry1, rx2, ry2,
                     tx1, ty1, tx2, ty2,
                     keep_out,
                     keep_ref):
    t = pl.program_id(0)
    b = keep_ref.shape[0]

    @pl.when(t == 0)
    def _init():
        keep_ref[...] = jnp.zeros_like(keep_ref)

    rows = [rx1[...], ry1[...], rx2[...], ry2[...]]
    tile = [v.reshape(b, 1, _TILE) for v in (tx1[...], ty1[...], tx2[...], ty2[...])]
    area_r = (rows[2] - rows[0]) * (rows[3] - rows[1])
    area_t = (tile[2] - tile[0]) * (tile[3] - tile[1])

    def chunk_body(c, sup):
        cc = [v[:, pl.ds(c, 1), 0, :] for v in (cx1, cy1, cx2, cy2)]
        area_c = (cc[2] - cc[0]) * (cc[3] - cc[1])
        iou_c = _iou(rows[0], rows[1], rows[2], rows[3], area_r,
                     cc[0], cc[1], cc[2], cc[3], area_c)
        a_c = jnp.where(iou_c > _NMS_THRESH, 1.0, 0.0)
        kept_c = keep_ref[:, pl.ds(c * _TILE, _TILE), :]
        return sup + jax.lax.dot_general(
            a_c, kept_c, dimension_numbers=_BATCH_DIMS,
            preferred_element_type=jnp.float32)

    sup_prev = jax.lax.fori_loop(
        0, t, chunk_body, jnp.zeros((b, _TILE, 1), jnp.float32))
    base = jnp.where(sup_prev > 0.5, 0.0, 1.0)

    iou_local = _iou(rows[0], rows[1], rows[2], rows[3], area_r,
                     tile[0], tile[1], tile[2], tile[3], area_t)
    row_ids = jax.lax.broadcasted_iota(jnp.int32, (1, _TILE, _TILE), 1)
    col_ids = jax.lax.broadcasted_iota(jnp.int32, (1, _TILE, _TILE), 2)
    s_local = jnp.where((iou_local > _NMS_THRESH) & (col_ids < row_ids),
                        1.0, 0.0)

    def cond(st):
        _, changed, it = st
        return changed & (it < _TILE)

    def body(st):
        k, _, it = st
        sup = jax.lax.dot_general(
            s_local, k,
            dimension_numbers=_BATCH_DIMS,
            preferred_element_type=jnp.float32)
        newk = jnp.where(sup > 0.5, 0.0, base)
        changed = jnp.any(newk != k)
        return newk, changed, it + 1

    k0 = base
    k, _, _ = jax.lax.while_loop(cond, body, (k0, jnp.bool_(True), 0))

    keep_ref[:, pl.ds(t * _TILE, _TILE), :] = k
    keep_out[...] = k


def _run_nms(x1, y1, x2, y2):
    b = x1.shape[0]
    cols_spec = pl.BlockSpec((b, _N_TILES, 1, _TILE), lambda t: (0, 0, 0, 0))
    rows_spec = pl.BlockSpec((b, _TILE, 1), lambda t: (0, t, 0))
    tile_spec = pl.BlockSpec((b, 1, 1, _TILE), lambda t: (0, t, 0, 0))

    cols = [c.reshape(b, _N_TILES, 1, _TILE) for c in (x1, y1, x2, y2)]
    rows = [c[:, :, None] for c in (x1, y1, x2, y2)]
    tile = [c.reshape(b, _N_TILES, 1, _TILE) for c in (x1, y1, x2, y2)]

    keep = pl.pallas_call(
        _nms_tile_kernel,
        grid=(_N_TILES,),
        in_specs=[cols_spec] * 4 + [rows_spec] * 4 + [tile_spec] * 4,
        out_specs=pl.BlockSpec((b, _TILE, 1), lambda t: (0, t, 0)),
        out_shape=jax.ShapeDtypeStruct((b, _N_PAD, 1), jnp.float32),
        scratch_shapes=[pltpu.VMEM((b, _N_PAD, 1), jnp.float32)],
        compiler_params=pltpu.CompilerParams(
            dimension_semantics=("arbitrary",)),
    )(*cols, *rows, *tile)
    return keep[:, :, 0]


def kernel(proposals, objectness):
    cand_vals, cand_idx = jax.lax.approx_max_k(objectness, _N_PAD,
                                               recall_target=1.0)
    neg_sorted, idx_sorted = jax.lax.sort(
        (-cand_vals, cand_idx.astype(jnp.int32)), dimension=-1, num_keys=2)
    obj_top = -neg_sorted[:, :_PRE_NMS]
    top_idx = idx_sorted[:, :_PRE_NMS]
    boxes_top = jnp.take_along_axis(proposals, top_idx[..., None], axis=1)

    x1 = jnp.clip(boxes_top[..., 0], 0.0, _IMG_W)
    y1 = jnp.clip(boxes_top[..., 1], 0.0, _IMG_H)
    x2 = jnp.clip(boxes_top[..., 2], 0.0, _IMG_W)
    y2 = jnp.clip(boxes_top[..., 3], 0.0, _IMG_H)
    probs = jax.nn.sigmoid(obj_top)

    pad = _N_PAD - _PRE_NMS
    xp, yp, x2p, y2p = (jnp.pad(c, ((0, 0), (0, pad))) for c in (x1, y1, x2, y2))

    keep = _run_nms(xp, yp, x2p, y2p)[:, :_PRE_NMS]

    kept_scores = jnp.where(keep > 0.5, probs, -1e9)
    top_scores, sel = jax.lax.top_k(kept_scores, _POST_NMS)
    boxes_clipped = jnp.stack([x1, y1, x2, y2], axis=-1)
    top_boxes = jnp.take_along_axis(boxes_clipped, sel[..., None], axis=1)
    return jnp.concatenate([top_boxes, top_scores[..., None]], axis=-1)

# --- scband reference (transcript-rebuilt; emitter-appended) ---
"""Pipeline reference for scband-region-proposal-network-38714835206316 (READ-ONLY COPY).

The authoritative reference and input builder live on the scoring server;
editing this copy changes nothing except your own understanding.
"""

import jax, jax.numpy as jnp
import numpy as np

IMG_H, IMG_W = 800.0, 800.0
PRE_NMS = 2000
POST_NMS = 1000
NMS_THRESH = 0.7
SCORE_THRESH = 0.0
MIN_SIZE = 0.001


def setup_inputs(seed: int = 0) -> dict:
    key = jax.random.key(seed)
    k1, k2 = jax.random.split(key)
    u = jax.random.uniform(k1, (4, 20000, 4), dtype=jnp.float32)
    cx = u[..., 0] * IMG_W
    cy = u[..., 1] * IMG_H
    w = 16.0 + u[..., 2] * 240.0
    h = 16.0 + u[..., 3] * 240.0
    proposals = jnp.stack([cx - w / 2, cy - h / 2, cx + w / 2, cy + h / 2], axis=-1)
    objectness = jax.random.normal(k2, (4, 20000), dtype=jnp.float32)
    return {"proposals": proposals, "objectness": objectness}


def _box_iou(a, b):
    area_a = (a[:, 2] - a[:, 0]) * (a[:, 3] - a[:, 1])
    area_b = (b[:, 2] - b[:, 0]) * (b[:, 3] - b[:, 1])
    lt = jnp.maximum(a[:, None, :2], b[None, :, :2])
    rb = jnp.minimum(a[:, None, 2:], b[None, :, 2:])
    wh = jnp.clip(rb - lt, 0.0)
    inter = wh[..., 0] * wh[..., 1]
    return inter / (area_a[:, None] + area_b[None, :] - inter + 1e-9)


def _nms_single(boxes, scores):
    # boxes [P,4], scores [P] -- mirrors torchvision filter_proposals per image
    x1 = jnp.clip(boxes[:, 0], 0.0, IMG_W)
    y1 = jnp.clip(boxes[:, 1], 0.0, IMG_H)
    x2 = jnp.clip(boxes[:, 2], 0.0, IMG_W)
    y2 = jnp.clip(boxes[:, 3], 0.0, IMG_H)
    boxes = jnp.stack([x1, y1, x2, y2], axis=-1)
    w = x2 - x1
    h = y2 - y1
    valid = (w >= MIN_SIZE) & (h >= MIN_SIZE) & (scores >= SCORE_THRESH)
    masked_scores = jnp.where(valid, scores, -1e9)
    order = jnp.argsort(-masked_scores)
    boxes_s = jnp.take(boxes, order, axis=0)
    scores_s = jnp.take(masked_scores, order)
    valid_s = jnp.take(valid, order)
    ious = jax.lax.stop_gradient(_box_iou(boxes_s, boxes_s))
    P = boxes_s.shape[0]
    idxs = jnp.arange(P)

    def body(i, keep):
        row = jax.lax.dynamic_index_in_dim(ious, i, axis=0, keepdims=False)
        sup = jnp.any((row > NMS_THRESH) & keep & (idxs < i))
        cur = jax.lax.dynamic_index_in_dim(keep, i, axis=0, keepdims=False)
        return keep.at[i].set(jnp.logical_and(cur, jnp.logical_not(sup)))

    keep = jax.lax.fori_loop(0, P, body, valid_s)
    kept_scores = jnp.where(keep, scores_s, -1e9)
    top_scores, top_idx = jax.lax.top_k(kept_scores, POST_NMS)
    top_boxes = jnp.take(boxes_s, top_idx, axis=0)
    return top_boxes, top_scores


def reference(proposals, objectness):
    # pre-NMS top-k over all anchors (single level)
    obj_top, top_idx = jax.lax.top_k(objectness, PRE_NMS)
    boxes_top = jnp.take_along_axis(proposals, top_idx[..., None], axis=1)
    probs = jax.nn.sigmoid(obj_top)
    boxes_f, scores_f = jax.vmap(_nms_single)(boxes_top, probs)
    return jnp.concatenate([boxes_f, scores_f[..., None]], axis=-1)

if __name__ == "__main__":
    import jax
    _d = setup_inputs()
    print(jax.jit(kernel)(*tuple(_d.values())))

</pallas_src>

<mosaic_0001>
module attributes {stable_mosaic.version = 14 : i64} {
  func.func @_nms_tile_kernel(%arg0: i32, %arg1: memref<4x16x1x128xf32, #tpu.memory_space<vmem>>, %arg2: memref<4x16x1x128xf32, #tpu.memory_space<vmem>>, %arg3: memref<4x16x1x128xf32, #tpu.memory_space<vmem>>, %arg4: memref<4x16x1x128xf32, #tpu.memory_space<vmem>>, %arg5: memref<4x128x1xf32, #tpu.memory_space<vmem>>, %arg6: memref<4x128x1xf32, #tpu.memory_space<vmem>>, %arg7: memref<4x128x1xf32, #tpu.memory_space<vmem>>, %arg8: memref<4x128x1xf32, #tpu.memory_space<vmem>>, %arg9: memref<4x1x1x128xf32, #tpu.memory_space<vmem>>, %arg10: memref<4x1x1x128xf32, #tpu.memory_space<vmem>>, %arg11: memref<4x1x1x128xf32, #tpu.memory_space<vmem>>, %arg12: memref<4x1x1x128xf32, #tpu.memory_space<vmem>>, %arg13: memref<4x128x1xf32, #tpu.memory_space<vmem>>, %arg14: memref<4x2048x1xf32, #tpu.memory_space<vmem>>) attributes {dimension_semantics = [#tpu.dimension_semantics<arbitrary>], iteration_bounds = array<i64: 16>, scalar_prefetch = 0 : i64, scratch_operands = 1 : i64, tpu.core_type = #tpu.core_type<tc>, window_params = [{pipeline_mode = #tpu.pipeline_mode<synchronous>, transform_indices = @transform_0, window_bounds = array<i64: 4, 16, 1, 128>}, {pipeline_mode = #tpu.pipeline_mode<synchronous>, transform_indices = @transform_1, window_bounds = array<i64: 4, 16, 1, 128>}, {pipeline_mode = #tpu.pipeline_mode<synchronous>, transform_indices = @transform_2, window_bounds = array<i64: 4, 16, 1, 128>}, {pipeline_mode = #tpu.pipeline_mode<synchronous>, transform_indices = @transform_3, window_bounds = array<i64: 4, 16, 1, 128>}, {transform_indices = @transform_4, window_bounds = array<i64: 4, 128, 1>}, {transform_indices = @transform_5, window_bounds = array<i64: 4, 128, 1>}, {transform_indices = @transform_6, window_bounds = array<i64: 4, 128, 1>}, {transform_indices = @transform_7, window_bounds = array<i64: 4, 128, 1>}, {transform_indices = @transform_8, window_bounds = array<i64: 4, 1, 1, 128>}, {transform_indices = @transform_9, window_bounds = array<i64: 4, 1, 1, 128>}, {transform_indices = @transform_10, window_bounds = array<i64: 4, 1, 1, 128>}, {transform_indices = @transform_11, window_bounds = array<i64: 4, 1, 1, 128>}, {transform_indices = @transform_12, window_bounds = array<i64: 4, 128, 1>}]} {
    %eq3A = arith.constant 0 : i32
    %eq3A_0 = arith.cmpi eq, %arg0, %eq3A : i32
    %convert_element_type3A = arith.extui %eq3A_0 : i1 to i32
    %cond3A = arith.constant 0 : i32
    %cond3A_1 = arith.cmpi ne, %convert_element_type3A, %cond3A : i32
    scf.if %cond3A_1 {
      %broadcast_in_dim3A_107 = arith.constant 0.000000e+00 : f32
      %broadcast_in_dim3A_108 = vector.broadcast %broadcast_in_dim3A_107 : f32 to vector<4x2048x1xf32>
      %swap3A_109 = arith.constant 0 : index
      %swap3A_110 = arith.constant 0 : index
      %swap3A_111 = arith.constant 0 : index
      %swap3A_112 = vector.load %arg14[%swap3A_109, %swap3A_110, %swap3A_111] : memref<4x2048x1xf32, #tpu.memory_space<vmem>>, vector<4x2048x1xf32>
      tpu.vector_store %arg14[%swap3A_109, %swap3A_110, %swap3A_111], %broadcast_in_dim3A_108 {strides = array<i32>} : memref<4x2048x1xf32, #tpu.memory_space<vmem>>, vector<4x2048x1xf32>,
    } else {
    }
    %get3A = arith.constant 0 : index
    %get3A_2 = arith.constant 0 : index
    %get3A_3 = arith.constant 0 : index
    %get3A_4 = vector.load %arg5[%get3A, %get3A_2, %get3A_3] : memref<4x128x1xf32, #tpu.memory_space<vmem>>, vector<4x128x1xf32>
    %get3A_5 = arith.constant 0 : index
    %get3A_6 = arith.constant 0 : index
    %get3A_7 = arith.constant 0 : index
    %get3A_8 = vector.load %arg6[%get3A_5, %get3A_6, %get3A_7] : memref<4x128x1xf32, #tpu.memory_space<vmem>>, vector<4x128x1xf32>
    %get3A_9 = arith.constant 0 : index
    %get3A_10 = arith.constant 0 : index
    %get3A_11 = arith.constant 0 : index
    %get3A_12 = vector.load %arg7[%get3A_9, %get3A_10, %get3A_11] : memref<4x128x1xf32, #tpu.memory_space<vmem>>, vector<4x128x1xf32>
    %get3A_13 = arith.constant 0 : index
    %get3A_14 = arith.constant 0 : index
    %get3A_15 = arith.constant 0 : index
    %get3A_16 = vector.load %arg8[%get3A_13, %get3A_14, %get3A_15] : memref<4x128x1xf32, #tpu.memory_space<vmem>>, vector<4x128x1xf32>
    %get3A_17 = arith.constant 0 : index
    %get3A_18 = arith.constant 0 : index
    %get3A_19 = arith.constant 0 : index
    %get3A_20 = arith.constant 0 : index
    %get3A_21 = vector.load %arg9[%get3A_17, %get3A_18, %get3A_19, %get3A_20] : memref<4x1x1x128xf32, #tpu.memory_space<vmem>>, vector<4x1x1x128xf32>
    %get3A_22 = arith.constant 0 : index
    %get3A_23 = arith.constant 0 : index
    %get3A_24 = arith.constant 0 : index
    %get3A_25 = arith.constant 0 : index
    %get3A_26 = vector.load %arg10[%get3A_22, %get3A_23, %get3A_24, %get3A_25] : memref<4x1x1x128xf32, #tpu.memory_space<vmem>>, vector<4x1x1x128xf32>
    %get3A_27 = arith.constant 0 : index
    %get3A_28 = arith.constant 0 : index
    %get3A_29 = arith.constant 0 : index
    %get3A_30 = arith.constant 0 : index
    %get3A_31 = vector.load %arg11[%get3A_27, %get3A_28, %get3A_29, %get3A_30] : memref<4x1x1x128xf32, #tpu.memory_space<vmem>>, vector<4x1x1x128xf32>
    %get3A_32 = arith.constant 0 : index
    %get3A_33 = arith.constant 0 : index
    %get3A_34 = arith.constant 0 : index
    %get3A_35 = arith.constant 0 : index
    %get3A_36 = vector.load %arg12[%get3A_32, %get3A_33, %get3A_34, %get3A_35] : memref<4x1x1x128xf32, #tpu.memory_space<vmem>>, vector<4x1x1x128xf32>
    %reshape3A = vector.shape_cast %get3A_21 : vector<4x1x1x128xf32> to vector<4x1x128xf32>
    %reshape3A_37 = vector.shape_cast %get3A_26 : vector<4x1x1x128xf32> to vector<4x1x128xf32>
    %reshape3A_38 = vector.shape_cast %get3A_31 : vector<4x1x1x128xf32> to vector<4x1x128xf32>
    %reshape3A_39 = vector.shape_cast %get3A_36 : vector<4x1x1x128xf32> to vector<4x1x128xf32>
    %sub3A = arith.subf %get3A_12, %get3A_4 : vector<4x128x1xf32>
    %sub3A_40 = arith.subf %get3A_16, %get3A_8 : vector<4x128x1xf32>
    %mul3A = arith.mulf %sub3A, %sub3A_40 : vector<4x128x1xf32>
    %sub3A_41 = arith.subf %reshape3A_38, %reshape3A : vector<4x1x128xf32>
    %sub3A_42 = arith.subf %reshape3A_39, %reshape3A_37 : vector<4x1x128xf32>
    %mul3A_43 = arith.mulf %sub3A_41, %sub3A_42 : vector<4x1x128xf32>
    %broadcast_in_dim3A = arith.constant 0.000000e+00 : f32
    %broadcast_in_dim3A_44 = vector.broadcast %broadcast_in_dim3A : f32 to vector<4x128x1xf32>
    %while3A = arith.constant 0 : i32
    %while3A_45 = arith.subi %arg0, %while3A : i32
    %while3A_46 = arith.addi %while3A, %while3A_45 : i32
    %while3A_47 = arith.constant 1 : i32
    %while3A_48 = arith.divsi %while3A_45, %while3A_47 : i32
    %while3A_49 = arith.muli %while3A_48, %while3A_47 : i32
    %while3A_50 = arith.addi %while3A, %while3A_49 : i32
    %while3A_51 = arith.constant 1 : i32
    %while3A_52 = scf.for %while3A_107 = %while3A to %while3A_50 step %while3A_51 iter_args(%while3A_108 = %broadcast_in_dim3A_44) -> (vector<4x128x1xf32>)  : i32 {
      %get3A_109 = arith.constant 0 : index
      %get3A_110 = arith.index_cast %while3A_107 : i32 to index
      %get3A_111 = arith.constant 0 : index
      %get3A_112 = arith.constant 0 : index
      %get3A_113 = vector.load %arg1[%get3A_109, %get3A_110, %get3A_111, %get3A_112] : memref<4x16x1x128xf32, #tpu.memory_space<vmem>>, vector<4x1x1x128xf32>
      %get3A_114 = vector.shape_cast %get3A_113 : vector<4x1x1x128xf32> to vector<4x1x128xf32>
      %get3A_115 = arith.constant 0 : index
      %get3A_116 = arith.index_cast %while3A_107 : i32 to index
      %get3A_117 = arith.constant 0 : index
      %get3A_118 = arith.constant 0 : index
      %get3A_119 = vector.load %arg2[%get3A_115, %get3A_116, %get3A_117, %get3A_118] : memref<4x16x1x128xf32, #tpu.memory_space<vmem>>, vector<4x1x1x128xf32>
      %get3A_120 = vector.shape_cast %get3A_119 : vector<4x1x1x128xf32> to vector<4x1x128xf32>
      %get3A_121 = arith.constant 0 : index
      %get3A_122 = arith.index_cast %while3A_107 : i32 to index
      %get3A_123 = arith.constant 0 : index
      %get3A_124 = arith.constant 0 : index
      %get3A_125 = vector.load %arg3[%get3A_121, %get3A_122, %get3A_123, %get3A_124] : memref<4x16x1x128xf32, #tpu.memory_space<vmem>>, vector<4x1x1x128xf32>
      %get3A_126 = vector.shape_cast %get3A_125 : vector<4x1x1x128xf32> to vector<4x1x128xf32>
      %get3A_127 = arith.constant 0 : index
      %get3A_128 = arith.index_cast %while3A_107 : i32 to index
      %get3A_129 = arith.constant 0 : index
      %get3A_130 = arith.constant 0 : index
      %get3A_131 = vector.load %arg4[%get3A_127, %get3A_128, %get3A_129, %get3A_130] : memref<4x16x1x128xf32, #tpu.memory_space<vmem>>, vector<4x1x1x128xf32>
      %get3A_132 = vector.shape_cast %get3A_131 : vector<4x1x1x128xf32> to vector<4x1x128xf32>
      %sub3A_133 = arith.subf %get3A_126, %get3A_114 : vector<4x1x128xf32>
      %sub3A_134 = arith.subf %get3A_132, %get3A_120 : vector<4x1x128xf32>
      %mul3A_135 = arith.mulf %sub3A_133, %sub3A_134 : vector<4x1x128xf32>
      %max3A_136 = vector.broadcast %get3A_4 : vector<4x128x1xf32> to vector<4x128x128xf32>
      %max3A_137 = vector.broadcast %get3A_114 : vector<4x1x128xf32> to vector<4x128x128xf32>
      %max3A_138 = arith.maximumf %max3A_136, %max3A_137 : vector<4x128x128xf32>
      %max3A_139 = vector.broadcast %get3A_8 : vector<4x128x1xf32> to vector<4x128x128xf32>
      %max3A_140 = vector.broadcast %get3A_120 : vector<4x1x128xf32> to vector<4x128x128xf32>
      %max3A_141 = arith.maximumf %max3A_139, %max3A_140 : vector<4x128x128xf32>
      %min3A_142 = vector.broadcast %get3A_12 : vector<4x128x1xf32> to vector<4x128x128xf32>
      %min3A_143 = vector.broadcast %get3A_126 : vector<4x1x128xf32> to vector<4x128x128xf32>
      %min3A_144 = arith.minimumf %min3A_142, %min3A_143 : vector<4x128x128xf32>
      %min3A_145 = vector.broadcast %get3A_16 : vector<4x128x1xf32> to vector<4x128x128xf32>
      %min3A_146 = vector.broadcast %get3A_132 : vector<4x1x128xf32> to vector<4x128x128xf32>
      %min3A_147 = arith.minimumf %min3A_145, %min3A_146 : vector<4x128x128xf32>
      %sub3A_148 = arith.subf %min3A_144, %max3A_138 : vector<4x128x128xf32>
      %jit3A_149 = arith.constant 0.000000e+00 : f32
      %max3A_150 = vector.broadcast %jit3A_149 : f32 to vector<4x128x128xf32>
      %max3A_151 = arith.maximumf %max3A_150, %sub3A_148 : vector<4x128x128xf32>
      %sub3A_152 = arith.subf %min3A_147, %max3A_141 : vector<4x128x128xf32>
      %jit3A_153 = arith.constant 0.000000e+00 : f32
      %max3A_154 = vector.broadcast %jit3A_153 : f32 to vector<4x128x128xf32>
      %max3A_155 = arith.maximumf %max3A_154, %sub3A_152 : vector<4x128x128xf32>
      %mul3A_156 = arith.mulf %max3A_151, %max3A_155 : vector<4x128x128xf32>
      %add3A_157 = vector.broadcast %mul3A : vector<4x128x1xf32> to vector<4x128x128xf32>
      %add3A_158 = vector.broadcast %mul3A_135 : vector<4x1x128xf32> to vector<4x128x128xf32>
      %add3A_159 = arith.addf %add3A_157, %add3A_158 : vector<4x128x128xf32>
      %sub3A_160 = arith.subf %add3A_159, %mul3A_156 : vector<4x128x128xf32>
      %add3A_161 = arith.constant 9.99999971E-10 : f32
      %add3A_162 = vector.broadcast %add3A_161 : f32 to vector<4x128x128xf32>
      %add3A_163 = arith.addf %sub3A_160, %add3A_162 : vector<4x128x128xf32>
      %div3A_164 = arith.divf %mul3A_156, %add3A_163 : vector<4x128x128xf32>
      %gt3A_165 = arith.constant 0.699999988 : f32
      %gt3A_166 = vector.broadcast %gt3A_165 : f32 to vector<4x128x128xf32>
      %gt3A_167 = arith.cmpf ogt, %div3A_164, %gt3A_166 : vector<4x128x128xf32>
      %jit3A_168 = arith.constant 1.000000e+00 : f32
      %jit3A_169 = arith.constant 0.000000e+00 : f32
      %broadcast_in_dim3A_170 = vector.broadcast %jit3A_168 : f32 to vector<4x128x128xf32>
      %broadcast_in_dim3A_171 = vector.broadcast %jit3A_169 : f32 to vector<4x128x128xf32>
      %select_n3A_172 = arith.select %gt3A_167, %broadcast_in_dim3A_170, %broadcast_in_dim3A_171 : vector<4x128x128xi1>, vector<4x128x128xf32>
      %mul3A_173 = arith.constant 128 : i32
      %mul3A_174 = arith.muli %while3A_107, %mul3A_173 : i32
      %get3A_175 = arith.constant 0 : index
      %get3A_176 = arith.index_cast %mul3A_174 : i32 to index
      %get3A_177 = arith.constant 0 : index
      %get3A_178 = vector.load %arg14[%get3A_175, %get3A_176, %get3A_177] : memref<4x2048x1xf32, #tpu.memory_space<vmem>>, vector<4x128x1xf32>
      %dot_general3A = arith.constant dense<0.000000e+00> : vector<4x128x1xf32>
      %dot_general3A_179 = tpu.matmul %select_n3A_172, %get3A_178, %dot_general3A {dimension_numbers = #tpu.dot_dimension_numbers<[2], [1], [1], [2], [0, 0, 0, 1, 1, 2], [0], [0]>, transpose_lhs_hint = false} : vector<4x128x128xf32>, vector<4x128x1xf32>, vector<4x128x1xf32> -> vector<4x128x1xf32>
      %add3A_180 = arith.addf %while3A_108, %dot_general3A_179 : vector<4x128x1xf32>
      scf.yield %add3A_180 : vector<4x128x1xf32>
    }
    %while3A_53 = arith.constant 1 : i32
    %while3A_54 = scf.for %while3A_107 = %while3A_50 to %while3A_46 step %while3A_53 iter_args(%while3A_108 = %while3A_52) -> (vector<4x128x1xf32>)  : i32 {
      %get3A_109 = arith.constant 0 : index
      %get3A_110 = arith.index_cast %while3A_107 : i32 to index
      %get3A_111 = arith.constant 0 : index
      %get3A_112 = arith.constant 0 : index
      %get3A_113 = vector.load %arg1[%get3A_109, %get3A_110, %get3A_111, %get3A_112] : memref<4x16x1x128xf32, #tpu.memory_space<vmem>>, vector<4x1x1x128xf32>
      %get3A_114 = vector.shape_cast %get3A_113 : vector<4x1x1x128xf32> to vector<4x1x128xf32>
      %get3A_115 = arith.constant 0 : index
      %get3A_116 = arith.index_cast %while3A_107 : i32 to index
      %get3A_117 = arith.constant 0 : index
      %get3A_118 = arith.constant 0 : index
      %get3A_119 = vector.load %arg2[%get3A_115, %get3A_116, %get3A_117, %get3A_118] : memref<4x16x1x128xf32, #tpu.memory_space<vmem>>, vector<4x1x1x128xf32>
      %get3A_120 = vector.shape_cast %get3A_119 : vector<4x1x1x128xf32> to vector<4x1x128xf32>
      %get3A_121 = arith.constant 0 : index
      %get3A_122 = arith.index_cast %while3A_107 : i32 to index
      %get3A_123 = arith.constant 0 : index
      %get3A_124 = arith.constant 0 : index
      %get3A_125 = vector.load %arg3[%get3A_121, %get3A_122, %get3A_123, %get3A_124] : memref<4x16x1x128xf32, #tpu.memory_space<vmem>>, vector<4x1x1x128xf32>
      %get3A_126 = vector.shape_cast %get3A_125 : vector<4x1x1x128xf32> to vector<4x1x128xf32>
      %get3A_127 = arith.constant 0 : index
      %get3A_128 = arith.index_cast %while3A_107 : i32 to index
      %get3A_129 = arith.constant 0 : index
      %get3A_130 = arith.constant 0 : index
      %get3A_131 = vector.load %arg4[%get3A_127, %get3A_128, %get3A_129, %get3A_130] : memref<4x16x1x128xf32, #tpu.memory_space<vmem>>, vector<4x1x1x128xf32>
      %get3A_132 = vector.shape_cast %get3A_131 : vector<4x1x1x128xf32> to vector<4x1x128xf32>
      %sub3A_133 = arith.subf %get3A_126, %get3A_114 : vector<4x1x128xf32>
      %sub3A_134 = arith.subf %get3A_132, %get3A_120 : vector<4x1x128xf32>
      %mul3A_135 = arith.mulf %sub3A_133, %sub3A_134 : vector<4x1x128xf32>
      %max3A_136 = vector.broadcast %get3A_4 : vector<4x128x1xf32> to vector<4x128x128xf32>
      %max3A_137 = vector.broadcast %get3A_114 : vector<4x1x128xf32> to vector<4x128x128xf32>
      %max3A_138 = arith.maximumf %max3A_136, %max3A_137 : vector<4x128x128xf32>
      %max3A_139 = vector.broadcast %get3A_8 : vector<4x128x1xf32> to vector<4x128x128xf32>
      %max3A_140 = vector.broadcast %get3A_120 : vector<4x1x128xf32> to vector<4x128x128xf32>
      %max3A_141 = arith.maximumf %max3A_139, %max3A_140 : vector<4x128x128xf32>
      %min3A_142 = vector.broadcast %get3A_12 : vector<4x128x1xf32> to vector<4x128x128xf32>
      %min3A_143 = vector.broadcast %get3A_126 : vector<4x1x128xf32> to vector<4x128x128xf32>
      %min3A_144 = arith.minimumf %min3A_142, %min3A_143 : vector<4x128x128xf32>
      %min3A_145 = vector.broadcast %get3A_16 : vector<4x128x1xf32> to vector<4x128x128xf32>
      %min3A_146 = vector.broadcast %get3A_132 : vector<4x1x128xf32> to vector<4x128x128xf32>
      %min3A_147 = arith.minimumf %min3A_145, %min3A_146 : vector<4x128x128xf32>
      %sub3A_148 = arith.subf %min3A_144, %max3A_138 : vector<4x128x128xf32>
      %jit3A_149 = arith.constant 0.000000e+00 : f32
      %max3A_150 = vector.broadcast %jit3A_149 : f32 to vector<4x128x128xf32>
      %max3A_151 = arith.maximumf %max3A_150, %sub3A_148 : vector<4x128x128xf32>
      %sub3A_152 = arith.subf %min3A_147, %max3A_141 : vector<4x128x128xf32>
      %jit3A_153 = arith.constant 0.000000e+00 : f32
      %max3A_154 = vector.broadcast %jit3A_153 : f32 to vector<4x128x128xf32>
      %max3A_155 = arith.maximumf %max3A_154, %sub3A_152 : vector<4x128x128xf32>
      %mul3A_156 = arith.mulf %max3A_151, %max3A_155 : vector<4x128x128xf32>
      %add3A_157 = vector.broadcast %mul3A : vector<4x128x1xf32> to vector<4x128x128xf32>
      %add3A_158 = vector.broadcast %mul3A_135 : vector<4x1x128xf32> to vector<4x128x128xf32>
      %add3A_159 = arith.addf %add3A_157, %add3A_158 : vector<4x128x128xf32>
      %sub3A_160 = arith.subf %add3A_159, %mul3A_156 : vector<4x128x128xf32>
      %add3A_161 = arith.constant 9.99999971E-10 : f32
      %add3A_162 = vector.broadcast %add3A_161 : f32 to vector<4x128x128xf32>
      %add3A_163 = arith.addf %sub3A_160, %add3A_162 : vector<4x128x128xf32>
      %div3A_164 = arith.divf %mul3A_156, %add3A_163 : vector<4x128x128xf32>
      %gt3A_165 = arith.constant 0.699999988 : f32
      %gt3A_166 = vector.broadcast %gt3A_165 : f32 to vector<4x128x128xf32>
      %gt3A_167 = arith.cmpf ogt, %div3A_164, %gt3A_166 : vector<4x128x128xf32>
      %jit3A_168 = arith.constant 1.000000e+00 : f32
      %jit3A_169 = arith.constant 0.000000e+00 : f32
      %broadcast_in_dim3A_170 = vector.broadcast %jit3A_168 : f32 to vector<4x128x128xf32>
      %broadcast_in_dim3A_171 = vector.broadcast %jit3A_169 : f32 to vector<4x128x128xf32>
      %select_n3A_172 = arith.select %gt3A_167, %broadcast_in_dim3A_170, %broadcast_in_dim3A_171 : vector<4x128x128xi1>, vector<4x128x128xf32>
      %mul3A_173 = arith.constant 128 : i32
      %mul3A_174 = arith.muli %while3A_107, %mul3A_173 : i32
      %get3A_175 = arith.constant 0 : index
      %get3A_176 = arith.index_cast %mul3A_174 : i32 to index
      %get3A_177 = arith.constant 0 : index
      %get3A_178 = vector.load %arg14[%get3A_175, %get3A_176, %get3A_177] : memref<4x2048x1xf32, #tpu.memory_space<vmem>>, vector<4x128x1xf32>
      %dot_general3A = arith.constant dense<0.000000e+00> : vector<4x128x1xf32>
      %dot_general3A_179 = tpu.matmul %select_n3A_172, %get3A_178, %dot_general3A {dimension_numbers = #tpu.dot_dimension_numbers<[2], [1], [1], [2], [0, 0, 0, 1, 1, 2], [0], [0]>, transpose_lhs_hint = false} : vector<4x128x128xf32>, vector<4x128x1xf32>, vector<4x128x1xf32> -> vector<4x128x1xf32>
      %add3A_180 = arith.addf %while3A_108, %dot_general3A_179 : vector<4x128x1xf32>
      scf.yield %add3A_180 : vector<4x128x1xf32>
    }
    %gt3A = arith.constant 5.000000e-01 : f32
    %gt3A_55 = vector.broadcast %gt3A : f32 to vector<4x128x1xf32>
    %gt3A_56 = arith.cmpf ogt, %while3A_54, %gt3A_55 : vector<4x128x1xf32>
    %jit3A = arith.constant 0.000000e+00 : f32
    %jit3A_57 = arith.constant 1.000000e+00 : f32
    %broadcast_in_dim3A_58 = vector.broadcast %jit3A : f32 to vector<4x128x1xf32>
    %broadcast_in_dim3A_59 = vector.broadcast %jit3A_57 : f32 to vector<4x128x1xf32>
    %select_n3A = arith.select %gt3A_56, %broadcast_in_dim3A_58, %broadcast_in_dim3A_59 : vector<4x128x1xi1>, vector<4x128x1xf32>
    %max3A = vector.broadcast %get3A_4 : vector<4x128x1xf32> to vector<4x128x128xf32>
    %max3A_60 = vector.broadcast %reshape3A : vector<4x1x128xf32> to vector<4x128x128xf32>
    %max3A_61 = arith.maximumf %max3A, %max3A_60 : vector<4x128x128xf32>
    %max3A_62 = vector.broadcast %get3A_8 : vector<4x128x1xf32> to vector<4x128x128xf32>
    %max3A_63 = vector.broadcast %reshape3A_37 : vector<4x1x128xf32> to vector<4x128x128xf32>
    %max3A_64 = arith.maximumf %max3A_62, %max3A_63 : vector<4x128x128xf32>
    %min3A = vector.broadcast %get3A_12 : vector<4x128x1xf32> to vector<4x128x128xf32>
    %min3A_65 = vector.broadcast %reshape3A_38 : vector<4x1x128xf32> to vector<4x128x128xf32>
    %min3A_66 = arith.minimumf %min3A, %min3A_65 : vector<4x128x128xf32>
    %min3A_67 = vector.broadcast %get3A_16 : vector<4x128x1xf32> to vector<4x128x128xf32>
    %min3A_68 = vector.broadcast %reshape3A_39 : vector<4x1x128xf32> to vector<4x128x128xf32>
    %min3A_69 = arith.minimumf %min3A_67, %min3A_68 : vector<4x128x128xf32>
    %sub3A_70 = arith.subf %min3A_66, %max3A_61 : vector<4x128x128xf32>
    %jit3A_71 = arith.constant 0.000000e+00 : f32
    %max3A_72 = vector.broadcast %jit3A_71 : f32 to vector<4x128x128xf32>
    %max3A_73 = arith.maximumf %max3A_72, %sub3A_70 : vector<4x128x128xf32>
    %sub3A_74 = arith.subf %min3A_69, %max3A_64 : vector<4x128x128xf32>
    %jit3A_75 = arith.constant 0.000000e+00 : f32
    %max3A_76 = vector.broadcast %jit3A_75 : f32 to vector<4x128x128xf32>
    %max3A_77 = arith.maximumf %max3A_76, %sub3A_74 : vector<4x128x128xf32>
    %mul3A_78 = arith.mulf %max3A_73, %max3A_77 : vector<4x128x128xf32>
    %add3A = vector.broadcast %mul3A : vector<4x128x1xf32> to vector<4x128x128xf32>
    %add3A_79 = vector.broadcast %mul3A_43 : vector<4x1x128xf32> to vector<4x128x128xf32>
    %add3A_80 = arith.addf %add3A, %add3A_79 : vector<4x128x128xf32>
    %sub3A_81 = arith.subf %add3A_80, %mul3A_78 : vector<4x128x128xf32>
    %add3A_82 = arith.constant 9.99999971E-10 : f32
    %add3A_83 = vector.broadcast %add3A_82 : f32 to vector<4x128x128xf32>
    %add3A_84 = arith.addf %sub3A_81, %add3A_83 : vector<4x128x128xf32>
    %div3A = arith.divf %mul3A_78, %add3A_84 : vector<4x128x128xf32>
    %iota3A = tpu.iota {dimensions = array<i32: 1>} : vector<1x128x128xi32>
    %iota3A_85 = tpu.iota {dimensions = array<i32: 2>} : vector<1x128x128xi32>
    %gt3A_86 = arith.constant 0.699999988 : f32
    %gt3A_87 = vector.broadcast %gt3A_86 : f32 to vector<4x128x128xf32>
    %gt3A_88 = arith.cmpf ogt, %div3A, %gt3A_87 : vector<4x128x128xf32>
    %lt3A = arith.cmpi slt, %iota3A_85, %iota3A : vector<1x128x128xi32>
    %and3A = vector.broadcast %lt3A : vector<1x128x128xi1> to vector<4x128x128xi1>
    %and3A_89 = arith.andi %gt3A_88, %and3A : vector<4x128x128xi1>
    %jit3A_90 = arith.constant 1.000000e+00 : f32
    %jit3A_91 = arith.constant 0.000000e+00 : f32
    %broadcast_in_dim3A_92 = vector.broadcast %jit3A_90 : f32 to vector<4x128x128xf32>
    %broadcast_in_dim3A_93 = vector.broadcast %jit3A_91 : f32 to vector<4x128x128xf32>
    %select_n3A_94 = arith.select %and3A_89, %broadcast_in_dim3A_92, %broadcast_in_dim3A_93 : vector<4x128x128xi1>, vector<4x128x128xf32>
    %while3A_95 = arith.constant true
    %while3A_96 = arith.constant 0 : i32
    %while3A_97:3 = scf.while (%while3A_107 = %select_n3A, %while3A_108 = %while3A_95, %while3A_109 = %while3A_96) : (vector<4x128x1xf32>, i1, i32) -> (vector<4x128x1xf32>, i1, i32) {
      %lt3A_110 = arith.constant 128 : i32
      %lt3A_111 = arith.cmpi slt, %while3A_109, %lt3A_110 : i32
      %and3A_112 = arith.andi %while3A_108, %lt3A_111 : i1
      scf.condition(%and3A_112) %while3A_107, %while3A_108, %while3A_109 : vector<4x128x1xf32>, i1, i32
    } do {
    ^bb0(%while3A_107: vector<4x128x1xf32>, %while3A_108: i1, %while3A_109: i32):
      %dot_general3A = arith.constant dense<0.000000e+00> : vector<4x128x1xf32>
      %dot_general3A_110 = tpu.matmul %select_n3A_94, %while3A_107, %dot_general3A {dimension_numbers = #tpu.dot_dimension_numbers<[2], [1], [1], [2], [0, 0, 0, 1, 1, 2], [0], [0]>, transpose_lhs_hint = false} : vector<4x128x128xf32>, vector<4x128x1xf32>, vector<4x128x1xf32> -> vector<4x128x1xf32>
      %gt3A_111 = arith.constant 5.000000e-01 : f32
      %gt3A_112 = vector.broadcast %gt3A_111 : f32 to vector<4x128x1xf32>
      %gt3A_113 = arith.cmpf ogt, %dot_general3A_110, %gt3A_112 : vector<4x128x1xf32>
      %jit3A_114 = arith.constant 0.000000e+00 : f32
      %broadcast_in_dim3A_115 = vector.broadcast %jit3A_114 : f32 to vector<4x128x1xf32>
      %select_n3A_116 = arith.select %gt3A_113, %broadcast_in_dim3A_115, %select_n3A : vector<4x128x1xi1>, vector<4x128x1xf32>
      %ne3A = arith.cmpf one, %select_n3A_116, %while3A_107 : vector<4x128x1xf32>
      %reduce_or3A = arith.constant 1.000000e+00 : f32
      %reduce_or3A_117 = arith.constant 0.000000e+00 : f32
      %reduce_or3A_118 = vector.broadcast %reduce_or3A : f32 to vector<4x128x1xf32>
      %reduce_or3A_119 = vector.broadcast %reduce_or3A_117 : f32 to vector<4x128x1xf32>
      %reduce_or3A_120 = arith.select %ne3A, %reduce_or3A_118, %reduce_or3A_119 : vector<4x128x1xi1>, vector<4x128x1xf32>
      %reduce_or3A_121 = vector.shape_cast %reduce_or3A_120 : vector<4x128x1xf32> to vector<1x4x128x1xf32>
      %reduce_or3A_122 = arith.constant dense<0xFF800000> : vector<1xf32>
      %reduce_or3A_123 = vector.multi_reduction <maximumf>, %reduce_or3A_121, %reduce_or3A_122 [1, 2, 3] : vector<1x4x128x1xf32> to vector<1xf32>
      %reduce_or3A_124 = vector.shape_cast %reduce_or3A_123 : vector<1xf32> to vector<1x1x1x1xf32>
      %reduce_or3A_125 = vector.extract %reduce_or3A_124[0, 0, 0, 0] : f32 from vector<1x1x1x1xf32>
      %reduce_or3A_126 = arith.constant 0.000000e+00 : f32
      %reduce_or3A_127 = arith.cmpf ogt, %reduce_or3A_125, %reduce_or3A_126 : f32
      %add3A_128 = arith.constant 1 : i32
      %add3A_129 = arith.addi %while3A_109, %add3A_128 : i32
      scf.yield %select_n3A_116, %reduce_or3A_127, %add3A_129 : vector<4x128x1xf32>, i1, i32
    }
    %mul3A_98 = arith.constant 128 : i32
    %mul3A_99 = arith.muli %arg0, %mul3A_98 : i32
    %swap3A = arith.constant 0 : index
    %swap3A_100 = arith.index_cast %mul3A_99 : i32 to index
    %swap3A_101 = arith.constant 0 : index
    %swap3A_102 = vector.load %arg14[%swap3A, %swap3A_100, %swap3A_101] : memref<4x2048x1xf32, #tpu.memory_space<vmem>>, vector<4x128x1xf32>
    tpu.vector_store %arg14[%swap3A, %swap3A_100, %swap3A_101], %while3A_97#0 {strides = array<i32>} : memref<4x2048x1xf32, #tpu.memory_space<vmem>>, vector<4x128x1xf32>,
    %swap3A_103 = arith.constant 0 : index
    %swap3A_104 = arith.constant 0 : index
    %swap3A_105 = arith.constant 0 : index
    %swap3A_106 = vector.load %arg13[%swap3A_103, %swap3A_104, %swap3A_105] : memref<4x128x1xf32, #tpu.memory_space<vmem>>, vector<4x128x1xf32>
    tpu.vector_store %arg13[%swap3A_103, %swap3A_104, %swap3A_105], %while3A_97#0 {strides = array<i32>} : memref<4x128x1xf32, #tpu.memory_space<vmem>>, vector<4x128x1xf32>,
    return
  }
  func.func @transform_0(%arg0: i32) -> (i32, i32, i32, i32) {
    %c0_i32 = arith.constant 0 : i32
    %c0_i32_0 = arith.constant 0 : i32
    %c0_i32_1 = arith.constant 0 : i32
    %c0_i32_2 = arith.constant 0 : i32
    %c0_i32_3 = arith.constant 0 : i32
    return %c0_i32, %c0_i32_0, %c0_i32_1, %c0_i32_2 : i32, i32, i32, i32
  }
  func.func @transform_1(%arg0: i32) -> (i32, i32, i32, i32) {
    %c0_i32 = arith.constant 0 : i32
    %c0_i32_0 = arith.constant 0 : i32
    %c0_i32_1 = arith.constant 0 : i32
    %c0_i32_2 = arith.constant 0 : i32
    %c0_i32_3 = arith.constant 0 : i32
    return %c0_i32, %c0_i32_0, %c0_i32_1, %c0_i32_2 : i32, i32, i32, i32
  }
  func.func @transform_2(%arg0: i32) -> (i32, i32, i32, i32) {
    %c0_i32 = arith.constant 0 : i32
    %c0_i32_0 = arith.constant 0 : i32
    %c0_i32_1 = arith.constant 0 : i32
    %c0_i32_2 = arith.constant 0 : i32
    %c0_i32_3 = arith.constant 0 : i32
    return %c0_i32, %c0_i32_0, %c0_i32_1, %c0_i32_2 : i32, i32, i32, i32
  }
  func.func @transform_3(%arg0: i32) -> (i32, i32, i32, i32) {
    %c0_i32 = arith.constant 0 : i32
    %c0_i32_0 = arith.constant 0 : i32
    %c0_i32_1 = arith.constant 0 : i32
    %c0_i32_2 = arith.constant 0 : i32
    %c0_i32_3 = arith.constant 0 : i32
    return %c0_i32, %c0_i32_0, %c0_i32_1, %c0_i32_2 : i32, i32, i32, i32
  }
  func.func @transform_4(%arg0: i32) -> (i32, i32, i32) {
    %c0_i32 = arith.constant 0 : i32
    %c0_i32_0 = arith.constant 0 : i32
    %c0_i32_1 = arith.constant 0 : i32
    return %c0_i32, %arg0, %c0_i32_0 : i32, i32, i32
  }
  func.func @transform_5(%arg0: i32) -> (i32, i32, i32) {
    %c0_i32 = arith.constant 0 : i32
    %c0_i32_0 = arith.constant 0 : i32
    %c0_i32_1 = arith.constant 0 : i32
    return %c0_i32, %arg0, %c0_i32_0 : i32, i32, i32
  }
  func.func @transform_6(%arg0: i32) -> (i32, i32, i32) {
    %c0_i32 = arith.constant 0 : i32
    %c0_i32_0 = arith.constant 0 : i32
    %c0_i32_1 = arith.constant 0 : i32
    return %c0_i32, %arg0, %c0_i32_0 : i32, i32, i32
  }
  func.func @transform_7(%arg0: i32) -> (i32, i32, i32) {
    %c0_i32 = arith.constant 0 : i32
    %c0_i32_0 = arith.constant 0 : i32
    %c0_i32_1 = arith.constant 0 : i32
    return %c0_i32, %arg0, %c0_i32_0 : i32, i32, i32
  }
  func.func @transform_8(%arg0: i32) -> (i32, i32, i32, i32) {
    %c0_i32 = arith.constant 0 : i32
    %c0_i32_0 = arith.constant 0 : i32
    %c0_i32_1 = arith.constant 0 : i32
    %c0_i32_2 = arith.constant 0 : i32
    return %c0_i32, %arg0, %c0_i32_0, %c0_i32_1 : i32, i32, i32, i32
  }
  func.func @transform_9(%arg0: i32) -> (i32, i32, i32, i32) {
    %c0_i32 = arith.constant 0 : i32
    %c0_i32_0 = arith.constant 0 : i32
    %c0_i32_1 = arith.constant 0 : i32
    %c0_i32_2 = arith.constant 0 : i32
    return %c0_i32, %arg0, %c0_i32_0, %c0_i32_1 : i32, i32, i32, i32
  }
  func.func @transform_10(%arg0: i32) -> (i32, i32, i32, i32) {
    %c0_i32 = arith.constant 0 : i32
    %c0_i32_0 = arith.constant 0 : i32
    %c0_i32_1 = arith.constant 0 : i32
    %c0_i32_2 = arith.constant 0 : i32
    return %c0_i32, %arg0, %c0_i32_0, %c0_i32_1 : i32, i32, i32, i32
  }
  func.func @transform_11(%arg0: i32) -> (i32, i32, i32, i32) {
    %c0_i32 = arith.constant 0 : i32
    %c0_i32_0 = arith.constant 0 : i32
    %c0_i32_1 = arith.constant 0 : i32
    %c0_i32_2 = arith.constant 0 : i32
    return %c0_i32, %arg0, %c0_i32_0, %c0_i32_1 : i32, i32, i32, i32
  }
  func.func @transform_12(%arg0: i32) -> (i32, i32, i32) {
    %c0_i32 = arith.constant 0 : i32
    %c0_i32_0 = arith.constant 0 : i32
    %c0_i32_1 = arith.constant 0 : i32
    return %c0_i32, %arg0, %c0_i32_0 : i32, i32, i32
  }
}

</mosaic_0001>

<sc_bundles>
// kernel: gather_offload_async_start.1
scs
__scs_entry_jumppad:
0x0: {  	(pc) =	sbr.rel $0x88, $3  }
0x1: {  	(tag) =	ssettag $0x0;
	lr =	simm.s32 $0x1  }
0x2: {  	[smem:$0x3F9F] =	sst lr;
	_ =	strace $0xD0000000  }
0x3: {  	_ = 	snop  }
0x4: {  	_ = 	snop  }
0x5: {  	_ = 	snop  }
0x6: {  	_ = 	snop  }
0x7: {  	_ = 	snop  }
__scs_overlays_trampoline_lowered:
0x8: {  	[smem:$0x3FAE] =	sst s0  }
0x9: {  	[smem:$0x3FAF] =	sst s1  }
0xa: {  	[smem:$0x3FB0] =	sst s2  }
0xb: {  	[smem:$0x3FB1] =	sst s3  }
0xc: {  	[smem:$0x3FB2] =	sst s4  }
0xd: {  	[smem:$0x3FB3] =	sst s5  }
0xe: {  	[smem:$0x3FB4] =	sst s6  }
0xf: {  	[smem:$0x3FB5] =	sst s7  }
0x10: {  	[smem:$0x3FB6] =	sst s8  }
0x11: {  	[smem:$0x3FB7] =	sst s9;
	s0 =	simm.s32 @!p0 $0x0  }
0x12: {  	s1 =	sld [smem:$0x3F9D];
	s0 =	simm.s32 @p0 $0x1  }
0x13: {  	[smem:$0x3FB8] =	sst s0;
	s0 =	simm.s32 @!p1 $0x0  }
0x14: {  	s2 =	sld [smem:$0x3F9C];
	s0 =	simm.s32 @p1 $0x1  }
0x15: {  	[smem:$0x3FB9] =	sst s0;
	s0 =	simm.s32 @!p2 $0x0  }
0x16: {  	s3 =	sld [smem:$0x3FDB];
	s0 =	simm.s32 @p2 $0x1  }
0x17: {  	s4 =	simm.s32 $0x1BF5;
	[smem:$0x3FBB] =	sst s0  }
0x18: {  	s0 =	sld [smem:$0x3F9E];
	_ =	swait.ge [sflag:s4], $0x0  }
0x19: {  	s7 =	sld [smem:$0x3F9F]  }
0x1a: {  	s8 =	sadd.s32 $0xFFFFE003, lr  }
0x1b: {  	s9 =	sadd.s32 $0xFFFFFEF7, lr;
	s5 =	simm.s32 $0xFFFFFFFF;
	p2 =	slt.u32 s8, $0xFFFFF086  }
0x1c: {  	p1 =	slt.u32 s9, $0xF7A;
	s5 =	simm.s32 @!p2 $0x0  }
0x1d: {  	s5 =	simm.s32 @p1 $0x1;
	p0 =	seq.s32 s7, s2  }
0x1e: {  	s7 =	smul.u32 @!p0 $0xF7A, s2;
	p2 =	seq.s32 @!p0 s5, $0x0  }
0x1f: {  	s9 =	smul.u32 $0xF7A, s1;
	s8 =	simm.s32 @!p0 $0x1BF5;
	p2 =	por !p2, p0  }
0x20: {  	[sflag:s8] =	ssyncset.s32 @!p0 $0xFFFFF086;
	s6 =	sadd.s32 @!p0 s3, s7;
	s7 =	simm.s32 @!p0 $0x108  }
0x21: {  	s3 =	sadd.s32 s3, s9;
	s6 =	sadd.s32 @!p0 $0x88, s6;
	s7 =	simm.s32 @p2 $0x1082  }
0x22: {  	[simem:s7], [sflag:s8] =	dma.local @!p0 [hbm:s6], $0xF7A  }
0x23: {  	s9 =	sor.u32 $0xD0000000, s2;
	s6 =	simm.s32 $0x108;
	_ =	swait.ge @!p0 [sflag:s8], $0x0  }
0x24: {  	s3 =	sadd.s32 $0x88, s3;
	s6 =	simm.s32 @!p1 $0x1082;
	[sflag:s4] =	ssyncset.s32 $0xFFFFF086  }
0x25: {  	[simem:s6], [sflag:s4] =	dma.local [hbm:s3], $0xF7A  }
0x26: {  	[smem:$0x3F9F] =	sst s1;
	(tag) =	ssettag s2;
	_ =	strace s9  }
0x27: {  	s1 =	sld [smem:$0x3FAF]  }
0x28: {  	s2 =	sld [smem:$0x3FB0]  }
0x29: {  	s4 =	sld [smem:$0x3FB2]  }
0x2a: {  	p0 =	seq.s32 s5, $0x0;
	s5 =	sld [smem:$0x3FB3]  }
0x2b: {  	s6 =	sld [smem:$0x3FB4]  }
0x2c: {  	s7 =	sld [smem:$0x3FB5]  }
0x2d: {  	s3 =	simm.s32 $0x108;
	s8 =	sld [smem:$0x3FB6]  }
0x2e: {  	s3 =	simm.s32 @!p0 $0x1082;
	s9 =	sld [smem:$0x3FB7]  }
0x2f: {  	lr =	sadd.s32 s0, s3;
	s0 =	sld [smem:$0x3FAE]  }
0x30: {  	s3 =	sld [smem:$0x3FB1]  }
0x31: {  	[smem:$0x3FBA] =	sst s10  }
0x32: {  	s10 =	sld [smem:$0x3FB8];
	_ =	sdelay $0x3  }
0x33: {  	p0 =	seq.s32 s10, $0x1;
	s10 =	sld [smem:$0x3FBA];
	_ =	sdelay $0x3  }
0x34: {  	[smem:$0x3FBA] =	sst s10  }
0x35: {  	s10 =	sld [smem:$0x3FB9];
	_ =	sdelay $0x3  }
0x36: {  	p1 =	seq.s32 s10, $0x1;
	s10 =	sld [smem:$0x3FBA];
	_ =	sdelay $0x3  }
0x37: {  	[smem:$0x3FBA] =	sst s10  }
0x38: {  	s10 =	sld [smem:$0x3FBB]  }
0x39: {  	_ = 	snop;
	(pc) =	sbr.ind lr, $3  }
0x3a: {  	_ = 	snop  }
0x3b: {  	_ = 	snop  }
0x3c: {  	p2 =	seq.s32 s10, $0x1;
	s10 =	sld [smem:$0x3FBA]  }
0x3d: {  	_ =	shalt  }
0x3e: {  	_ =	shalt  }
0x3f: {  	_ =	shalt  }
0x40: {  	_ =	shalt  }
0x41: {  	_ =	shalt  }
0x42: {  	_ =	shalt  }
0x43: {  	_ =	shalt  }
0x44: {  	_ =	shalt  }
0x45: {  	_ =	shalt  }
0x46: {  	_ =	shalt  }
0x47: {  	_ =	shalt  }
0x48: {  	_ =	shalt  }
0x49: {  	_ =	shalt  }
0x4a: {  	_ =	shalt  }
0x4b: {  	_ =	shalt  }
0x4c: {  	_ =	shalt  }
0x4d: {  	_ =	shalt  }
0x4e: {  	_ =	shalt  }
0x4f: {  	_ =	shalt  }
0x50: {  	_ =	shalt  }
0x51: {  	_ =	shalt  }
0x52: {  	_ =	shalt  }
0x53: {  	_ =	shalt  }
0x54: {  	_ =	shalt  }
0x55: {  	_ =	shalt  }
0x56: {  	_ =	shalt  }
0x57: {  	_ =	shalt  }
0x58: {  	_ =	shalt  }
0x59: {  	_ =	shalt  }
0x5a: {  	_ =	shalt  }
0x5b: {  	_ =	shalt  }
0x5c: {  	_ =	shalt  }
0x5d: {  	_ =	shalt  }
0x5e: {  	_ =	shalt  }
0x5f: {  	_ =	shalt  }
0x60: {  	_ =	shalt  }
0x61: {  	_ =	shalt  }
0x62: {  	_ =	shalt  }
0x63: {  	_ =	shalt  }
0x64: {  	_ =	shalt  }
0x65: {  	_ =	shalt  }
0x66: {  	_ =	shalt  }
0x67: {  	_ =	shalt  }
0x68: {  	_ =	shalt  }
0x69: {  	_ =	shalt  }
0x6a: {  	_ =	shalt  }
0x6b: {  	_ =	shalt  }
0x6c: {  	_ =	shalt  }
0x6d: {  	_ =	shalt  }
0x6e: {  	_ =	shalt  }
0x6f: {  	_ =	shalt  }
0x70: {  	_ =	shalt  }
0x71: {  	_ =	shalt  }
0x72: {  	_ =	shalt  }
0x73: {  	_ =	shalt  }
0x74: {  	_ =	shalt  }
0x75: {  	_ =	shalt  }
0x76: {  	_ =	shalt  }
0x77: {  	_ =	shalt  }
0x78: {  	_ =	shalt  }
0x79: {  	_ =	shalt  }
0x7a: {  	_ =	shalt  }
0x7b: {  	_ =	shalt  }
0x7c: {  	_ =	shalt  }
0x7d: {  	_ =	shalt  }
0x7e: {  	_ =	shalt  }
0x7f: {  	_ =	shalt  }
0x80: {  	_ =	shalt  }
0x81: {  	_ =	shalt  }
0x82: {  	_ =	shalt  }
0x83: {  	_ =	shalt  }
0x84: {  	_ =	shalt  }
0x85: {  	_ =	shalt  }
0x86: {  	_ =	shalt  }
0x87: {  	_ =	shalt  }
.Lfunc_end0:
.L_simem_size_0:
called_computation.1_lowered:
.L_overlay_start_0:
0x88: {  	s2 =	sld [smem:$0x3FD9]  }
0x89: {  	s3 =	sld [smem:$0x3FFE];
	_ =	sdelay $0x1  }
0x8a: {  	s1 =	srdreg.scid  }
0x8b: {  	s0 =	sand.u32 $0x1, s1  }
0x8c: {  	s17 =	sshll.u32 s0, $0xA;
	s2 =	sadd.s32 s3, s2  }
0x8d: {  	s2 =	sadd.s32 s2, s17  }
0x8e: {  	[smem:$0x3FC6] =	sst s2  }
0x8f: {  	_ = 	snop  }
0x90: {  	s2 =	sld [smem:$0x3FD0];
	(tm) =	ssettm $0x1  }
0x91: {  	s18 =	sld [smem:$0x3FFB];
	_ =	sdelay $0x3  }
0x92: {  	_ =	strace s18  }
0x93: {  	s3 =	sld [smem:$0x3FFC];
	_ =	sdelay $0x3  }
0x94: {  	_ =	strace s3  }
0x95: {  	s3 =	sld [smem:$0x3FFD];
	_ =	sdelay $0x3  }
0x96: {  	_ =	strace s3  }
0x97: {  	_ =	strace $0x8FFFFFFF  }
0x98: {  	s19 =	sld [smem:$0x3FDB];
	_ =	sdelay $0x1  }
0x99: {  	s4 =	simm.s32 $_scs_section_size  }
0x9a: {  	s5 =	simm.s32 $_size__tile_overlayer_lowered;
	s6 =	simm.s32 $_tile_overlayer_lowered  }
0x9b: {  	s22 =	simm.s32 $0x1BFF;
	s21 =	sshll.u32 s6, $0x1;
	s3 =	sadd.s32 s4, s19  }
0x9c: {  	s7 =	simm.s32 $0x0;
	s20 =	sshll.u32 s5, $0x1;
	s5 =	sadd.s32 s21, s3  }
0x9d: {  	[timem:s7], [sflag:s22] =	dma.local [hbm:s5], s20  }
0x9e: {  	_ =	swait.ge [sflag:s22], s20  }
0x9f: {  	s4 =	ssub.s32 $0x0, s20;
	[sflag:s22] =	ssyncset.done $0x0  }
0xa0: {  	[sflag:s22] =	ssyncadd.s32 s4;
	_ =	sdelay $0x1  }
0xa1: {  	s23 =	simm.s32 $0x1B8B  }
0xa2: {  	_ =	swait.ge [sflag:s23], $0x1  }
0xa3: {  	[sflag:s23] =	ssyncset.done $0x0  }
0xa4: {  	s25 =	simm.s32 $0x1B8E;
	s24 =	sld [smem:$0x3FFE];
	[sflag:s23] =	ssyncadd.s32 $0xFFFFFFFF  }
0xa5: {  	s26 =	simm.s32 $execute0_lowered;
	[smem:$0x3FD2] =	sst s25  }
0xa6: {  	s5 =	sshll.u32 s26, $0x1;
	_ =	strace $0x80000049;
	[dreg:$0x1] =	wrdreg $0xFFFFFFFF  }
0xa7: {  	s28 =	simm.s32 $_size_execute0_lowered;
	s3 =	sadd.s32 s3, s5;
	[dreg:$0x0] =	wrdreg $0x0  }
0xa8: {  	s5 =	sshll.u32 s28, $0x1;
	[dreg:$0x2] =	wrdreg s3  }
0xa9: {  	[dreg:$0x3] =	wrdreg s5  }
0xaa: {  	[dreg:$0x4] =	wrdreg $0xC0  }
0xab: {  	_ =	task [dreg:s7], $0x5FFFF  }
0xac: {  	[dreg:$0x1] =	wrdreg $0xFFFFFFFF  }
0xad: {  	[dreg:$0x0] =	wrdreg $0x60  }
0xae: {  	[dreg:$0x2] =	wrdreg s24  }
0xaf: {  	[dreg:$0x3] =	wrdreg s2  }
0xb0: {  	[dreg:$0x4] =	wrdreg $0x9  }
0xb1: {  	_ =	task.clear_ibuf [dreg:s7], $0x5FFFF;
	_ =	strace $0x90000049  }
0xb2: {  	s29 =	simm.s32 $0x9;
	_ =	strace $0x8000004B  }
0xb3: {  	_ =	swait.ge [sflag:s29], $0x1  }
0xb4: {  	[sflag:s29] =	ssyncadd.s32 $0xFFFFFFFF  }
0xb5: {  	_ =	strace $0x9000004B  }
0xb6: {  	_ =	sfence  }
0xb7: {  	s30 =	sld [smem:$0x0];
	_ =	sdelay $0x2  }
0xb8: {  	s31 =	sshll.u32 s1, $0xD;
	s1 =	sshrl.u32 s1, $0x2  }
0xb9: {  	s3 =	sand.u32 $0x4000, s31;
	s1 =	sadd.s32 s1, s30  }
0xba: {  	s0 =	sor.u32 s3, s0;
	s1 =	sshll.u32 s1, $0x11  }
0xbb: {  	s0 =	sor.u32 s1, s0  }
0xbc: {  	s0 =	sadd.s32 $0x8F2B, s0  }
0xbd: {  	[sflag:s0] =	ssyncadd.remote.s32 $0x1  }
0xbe: {  	_ =	sfence.sel $0xFFFF  }
0xbf: {  	[dreg:$0x0] =	wrdreg $0xFFFFFFFF;
	(pc) =	sbr.abs _section_cstart, $3  }
0xc0: {  	[dreg:$0x1] =	wrdreg $0xFFFFFFFF  }
0xc1: {  	_ =	task.clear_ibuf [dreg:s7], $0x2FFFF;
	_ =	strace $0x9FFFFFFF  }
0xc2: {  	(tm) =	ssettm $0x7FFFFFFF  }
0xc3: {  	_ =	shalt  }
tec
execute0_lowered:
.L_overlay_start_1:
0x0: {  	(tag) =	ssettag $0x1  }
0x1: {  	s0 =	srdreg.scid  }
0x2: {  	s1 =	sshll.u32 s0, $0x4  }
0x3: {  	s0 =	stileid.u32;
	s1 =	sand.u32 $0x10, s1  }
0x4: {  	s2 =	sor.u32 s0, s1  }
0x5: {  	s1 =	smin.u32 s2, $0x12  }
0x6: {  	s1 =	sadd.s32 s2, s1  }
0x7: {  	p0 =	slt.u32 s2, $0x12;
	s2 =	simm.s32 $0xA0;
	s1 =	smul.u32 $0x50, s1  }
0x8: {  	s2 =	simm.s32 @!p0 $0x50  }
0x9: {  	s2 =	sadd.s32 s2, s1  }
0xa: {  	s3 =	smin.u32 s2, $0xFA0  }
0xb: {  	s7 =	ssub.s32 s3, s1  }
0xc: {  	p0 =	sgt.s32 s7, $0x0  }
0xd: {  	s7 =	simm.s32 @!p0 $0x0  }
0xe: {  	s4 =	rddreg [dreg:$0x0];
	s31 =	smul.u32 $0xCCCD, s7  }
0xf: {  	s5 =	rddreg [dreg:$0x1]  }
0x10: {  	s6 =	simm.s32 $0x1;
	s10 =	simm.s32 $0x3;
	s8 =	sshrl.u32 s31, $0x16  }
0x11: {  	s13 =	simm.s32 $0x0;
	s12 =	simm.s32 $0x0;
	s9 =	smul.u32 $0x50, s8  }
.Ltmp0:
0x12: {  	s11 =	smov.u32 s1;
	s2 =	rddreg [dreg:$0x2];
	(pc) =	sbr.rel .LBB2_1-.Ltmp0, $4  }
0x13: {  	_ =	strace $0x8000004A;
	p0 =	sne.s32 s7, s9;
	s9 =	simm.s32 $0x1  }
0x14: {  	[sflag:s6] =	ssyncpa.u1 $0x0;
	s7 =	simm.s32 $0x2;
	s9 =	simm.s32 @!p0 $0x0  }
0x15: {  	[sflag:s7] =	ssyncpa.u1 $0x0;
	p0 =	por $0x0, $0x0;
	s8 =	sadd.s32 s8, s9  }
0x16: {  	vm0 =	vmmov $0xff;
	vm1 =	vcmask $0x3F20;
	s9 =	sadd.s32 $0x1F400, s4;
	[sflag:s10] =	ssyncpa.u1 $0x0;
	s10 =	sadd.s32 $0x1, s8  }
.LBB2_6:
0x17: {  	[hbm:s17] =	stream.linear.scatter [tilespmem:s14], [sflag:$0x3], $0x400, $0x38;
	[tilespmem:$0x50A0] =	vst v63  }
.LBB2_7:
0x18: {  	s13 =	sadd.s32 $0x50, s11  }
0x19: {  	s15 =	smov.u32 s1;
	p2 =	slt.s32 s13, s3  }
0x1a: {  	s15 =	smov.u32 @p2 s13;
	p2 =	sne.s32 s12, s10  }
.Ltmp1:
0x1b: {  	p1 =	slt.u32 s12, $0x2;
	(pc) =	sbr.rel @!p2 .LBB2_8-.Ltmp1, $4  }
0x1c: {  	s14 =	simm.s32 @!p1 $0x3  }
0x1d: {  	s16 =	sadd.s32 $0x1, s12;
	_ =	swait.ge @!p1 [sflag:s14], $0x2800  }
0x1e: {  	p0 =	por !p0, !p0;
	s13 =	smov.u32 s11;
	[sflag:s14] =	ssyncset.done @!p1 $0x0  }
0x1f: {  	s12 =	smov.u32 s16;
	s11 =	smov.u32 s15;
	[sflag:s14] =	ssyncadd.s32 @!p1 $0xFFFFD800  }
.LBB2_1:
0x20: {  	p1 =	sge.u32 s12, s8  }
0x21: {  	s14 =	sxor.u32 @!p1 $0xFFFFFFFF, s12  }
0x22: {  	s14 =	sand.u32 @!p1 $0x1, s14  }
0x23: {  	s14 =	smul.u32 @!p1 $0x140, s14  }
0x24: {  	s31 =	sadd.s32 $0xFFFFFFFF, s12;
	s15 =	sshrl.u32 @!p1 s11, $0x3  }
0x25: {  	s16 =	sand.u32 @!p1 $0x7, s11;
	s15 =	sadd.s32 @!p1 s5, s15;
	s14 =	sshrl.u32 @!p1 s14, $0x2  }
0x26: {  	[tilespmem:s14], [sflag:$0x2] =	stream.linear.gather @!p1 [hbm4b:s15+s16], $0x50, $0x38;
	[tilespmem:$0x50A0] =	vst v63  }
0x27: {  	p1 =	sge.u32 s31, s8  }
.Ltmp2:
0x28: {  	_ = 	snop;
	(pc) =	sbr.rel @p1 .LBB2_7-.Ltmp2, $1  }
0x29: {  	_ =	sdelay $0x3  }
0x2a: {  	s14 =	simm.s32 $0x1  }
0x2b: {  	s14 =	simm.s32 @!p0 $0x0  }
0x2c: {  	s15 =	smul.u32 $0x140, s14  }
0x2d: {  	_ =	swait.ge [sflag:s7], $0x50  }
0x2e: {  	[sflag:s7] =	ssyncset.done $0x0;
	s16 =	sshrl.u32 s15, $0x2  }
0x2f: {  	[sflag:s7] =	ssyncadd.s32 $0xFFFFFFB0;
	s15 =	sadd.s32 $0x0, s16  }
0x30: {  	v0 =	vld.msk [tilespmem:s15+$0x0 ss:$0x1], $0xffff;
	_ =	sdelay $0x4  }
0x31: {  	v1 =	vand.u32 $0x3, v0;
	v2 =	vshll.u32 v0, $0x5  }
0x32: {  	vm2 =	veq.s32 v0, $0x80000000;
	v0 =	vmul.u32 $0x3E800, v1;
	v1 =	vand.u32 $0x3FF80, v2  }
0x33: {  	v1 =	vsel vm2, $0xFFFFFF80, v1  }
0x34: {  	v0 =	vsel vm2, $0xFFFC1800, v0;
	v2 =	vand.u32 $0xFFFFFC00, v1  }
0x35: {  	v1 =	vand.u32 $0x380, v1;
	v0 =	vadd.s32 v0, v2  }
0x36: {  	v0 =	vor.u32 v1, v0  }
0x37: {  	v0 =	vshrl.u32 v0, $0x3  }
0x38: {  	s14 =	smul.u32 $0xA000, s14;
	_ =	sdelay $0x1  }
0x39: {  	s14 =	sshrl.u32 s14, $0x2  }
0x3a: {  	s14 =	sor.u32 $0xA0, s14  }
0x3b: {  	[tilespmem:s14], [sflag:$0x1] =	stream.indirect_vreg.gather [hbm:s4], $0x80, v0, vm0, $0x38;
	[tilespmem:$0x50A0] =	vst v63  }
0x3c: {  	s17 =	sadd.s32 $0x10, s16;
	s15 =	sadd.s32 $0x400, s14  }
0x3d: {  	[tilespmem:s15], [sflag:$0x1] =	stream.indirect_vreg.gather [hbm:s4], $0x80, v0, vm1, $0x38;
	[tilespmem:$0x50A0] =	vst v63  }
0x3e: {  	s18 =	simm.s32 $0x80;
	v0 =	vld.msk [tilespmem:s17+$0x0 ss:$0x1], $0xffff;
	s17 =	smov.u32 s14  }
.LBB2_3:
0x3f: {  	p1 =	sne.s32 s18, $0x100;
	_ =	sdelay $0x4  }
0x40: {  	v1 =	vand.u32 $0x3, v0;
	v2 =	vshll.u32 v0, $0x5  }
0x41: {  	vm2 =	veq.s32 v0, $0x80000000;
	v0 =	vmul.u32 $0x3E800, v1;
	v1 =	vand.u32 $0x3FF80, v2  }
0x42: {  	v1 =	vsel vm2, $0xFFFFFF80, v1  }
0x43: {  	v0 =	vsel vm2, $0xFFFC1800, v0;
	v2 =	vand.u32 $0xFFFFFC00, v1  }
0x44: {  	v1 =	vand.u32 $0x380, v1;
	v0 =	vadd.s32 v0, v2  }
0x45: {  	v0 =	vor.u32 v1, v0  }
0x46: {  	v0 =	vshrl.u32 v0, $0x3;
	_ =	sdelay $0x3  }
.Ltmp3:
0x47: {  	s19 =	sshra.s32 s18, $0x2;
	s17 =	sadd.s32 $0x800, s17;
	(pc) =	sbr.rel @p1 .LBB2_3-.Ltmp3, $4  }
0x48: {  	[tilespmem:s17], [sflag:$0x1] =	stream.indirect_vreg.gather [hbm:s4], $0x80, v0, vm0, $0x38;
	[tilespmem:$0x50A0] =	vst v63  }
0x49: {  	s19 =	sadd.s32 s19, s16;
	s20 =	sadd.s32 $0x400, s17  }
0x4a: {  	[tilespmem:s20], [sflag:$0x1] =	stream.indirect_vreg.gather [hbm:s4], $0x80, v0, vm1, $0x38;
	[tilespmem:$0x50A0] =	vst v63  }
0x4b: {  	s18 =	sadd.s32 $0x40, s18;
	v0 =	vld.msk [tilespmem:s19+$0x0 ss:$0x1], $0xffff  }
0x4c: {  	_ =	sdelay $0x3  }
0x4d: {  	v1 =	vand.u32 $0x3, v0;
	v2 =	vshll.u32 v0, $0x5  }
0x4e: {  	vm2 =	veq.s32 v0, $0x80000000;
	v61 =	vmul.u32 $0x3E800, v1;
	v62 =	vand.u32 $0x3FF80, v2  }
0x4f: {  	v1 =	vsel vm2, $0xFFFFFF80, v62  }
0x50: {  	v0 =	vsel vm2, $0xFFFC1800, v61;
	v63 =	vand.u32 $0xFFFFFC00, v1  }
0x51: {  	v1 =	vand.u32 $0x380, v1;
	v0 =	vadd.s32 v0, v63  }
0x52: {  	v0 =	vor.u32 v1, v0  }
0x53: {  	v0 =	vshrl.u32 v0, $0x3;
	_ =	sdelay $0x3  }
0x54: {  	s16 =	sadd.s32 $0x800, s17  }
0x55: {  	[tilespmem:s16], [sflag:$0x1] =	stream.indirect_vreg.gather [hbm:s4], $0x80, v0, vm0, $0x38;
	[tilespmem:$0x50A0] =	vst v63  }
0x56: {  	s16 =	sadd.s32 $0x400, s16  }
0x57: {  	[tilespmem:s16], [sflag:$0x1] =	stream.indirect_vreg.gather [hbm:s4], $0x80, v0, vm1, $0x38;
	[tilespmem:$0x50A0] =	vst v63  }
0x58: {  	s13 =	sshll.u32 s13, $0x4;
	_ =	swait.ge [sflag:s6], $0x2800  }
0x59: {  	s13 =	sadd.s32 s13, s9;
	[sflag:s6] =	ssyncset.done $0x0  }
0x5a: {  	s17 =	sadd.s32 $0x0, s13;
	s16 =	simm.s32 $0x80;
	[sflag:s6] =	ssyncadd.s32 $0xFFFFD800  }
.LBB2_5:
0x5b: {  	[hbm:s17] =	stream.linear.scatter [tilespmem:s14], [sflag:$0x3], $0x400, $0x38;
	[tilespmem:$0x50A0] =	vst v63  }
0x5c: {  	s17 =	smov.u32 s16;
	s14 =	smov.u32 s15;
	p1 =	sne.s32 s16, $0x480  }
.Ltmp4:
0x5d: {  	s16 =	sadd.s32 $0x80, s16;
	(pc) =	sbr.rel @p1 .LBB2_5-.Ltmp4, $2  }
0x5e: {  	_ =	sdelay $0x2  }
0x5f: {  	s15 =	sadd.s32 $0x400, s15;
	s17 =	sadd.s32 s17, s13  }
.Ltmp5:
0x60: {  	_ = 	snop;
	(pc) =	sbr.rel .LBB2_6-.Ltmp5, $1  }
0x61: {  	_ =	sdelay $0x3  }
.LBB2_8:
0x62: {  	_ =	sfence.sel $0x180000  }
0x63: {  	s1 =	simm.s32 $0x2;
	[bflag:$0x0] =	sbarrier.arrive $0xFFFF  }
0x64: {  	s30 =	simm.s32 $0x3;
	[sflag:s1] =	ssyncpa.u1 $0x1  }
0x65: {  	s31 =	simm.s32 $0x1;
	[sflag:s30] =	ssyncpa.u1 $0x1  }
0x66: {  	[sflag:s31] =	ssyncpa.u1 $0x1  }
0x67: {  	p0 =	sne.s32 s0, $0x0;
	_ =	strace $0x9000004A  }
0x68: {  	s0 =	sadd.s32 @!p0 $0x100000, s2;
	[bflag:$0x2] =	sbarrier.arrive $0xFFFF  }
0x69: {  	[sflag:s0] =	ssyncadd.tile.s32 @!p0 $0x1;
	_ =	shalt  }
.Lfunc_end2:
_tile_overlayer_lowered:
.L_overlay_start_2:
0x6a: {  	(tag) =	ssettag $0x2  }
0x6b: {  	s0 =	rddreg [dreg:$0x0];
	s2 =	stileid.u32  }
0x6c: {  	s1 =	rddreg [dreg:$0x1];
	p0 =	sne.s32 s2, $0x0  }
0x6d: {  	s3 =	rddreg [dreg:$0x2];
	[bflag:$0x3] =	sbarrier.arrive $0xFFFF;
	s2 =	simm.s32 @!p0 $0x1C01  }
0x6e: {  	[timem:s3], [sflag:s2] =	dma.local @!p0 [hbm:s0], s1  }
0x6f: {  	s0 =	simm.s32 @!p0 $0x1  }
0x70: {  	_ =	swait.ge @!p0 [sflag:s0], s1  }
0x71: {  	s1 =	ssub.s32 @!p0 $0x0, s1;
	[sflag:s0] =	ssyncset.done @!p0 $0x0  }
0x72: {  	[sflag:s0] =	ssyncadd.s32 @!p0 s1  }
0x73: {  	[bflag:$0x3] =	sbarrier.arrive $0xFFFF  }
0x74: {  	_ =	shalt  }

// kernel: gather_offload_async_start
scs
__scs_entry_jumppad:
0x0: {  	(pc) =	sbr.rel $0x88, $3  }
0x1: {  	(tag) =	ssettag $0x0;
	lr =	simm.s32 $0x1  }
0x2: {  	[smem:$0x3F9F] =	sst lr;
	_ =	strace $0xD0000000  }
0x3: {  	_ = 	snop  }
0x4: {  	_ = 	snop  }
0x5: {  	_ = 	snop  }
0x6: {  	_ = 	snop  }
0x7: {  	_ = 	snop  }
__scs_overlays_trampoline_lowered:
0x8: {  	[smem:$0x3FAE] =	sst s0  }
0x9: {  	[smem:$0x3FAF] =	sst s1  }
0xa: {  	[smem:$0x3FB0] =	sst s2  }
0xb: {  	[smem:$0x3FB1] =	sst s3  }
0xc: {  	[smem:$0x3FB2] =	sst s4  }
0xd: {  	[smem:$0x3FB3] =	sst s5  }
0xe: {  	[smem:$0x3FB4] =	sst s6  }
0xf: {  	[smem:$0x3FB5] =	sst s7  }
0x10: {  	[smem:$0x3FB6] =	sst s8  }
0x11: {  	[smem:$0x3FB7] =	sst s9;
	s0 =	simm.s32 @!p0 $0x0  }
0x12: {  	s1 =	sld [smem:$0x3F9D];
	s0 =	simm.s32 @p0 $0x1  }
0x13: {  	[smem:$0x3FB8] =	sst s0;
	s0 =	simm.s32 @!p1 $0x0  }
0x14: {  	s2 =	sld [smem:$0x3F9C];
	s0 =	simm.s32 @p1 $0x1  }
0x15: {  	[smem:$0x3FB9] =	sst s0;
	s0 =	simm.s32 @!p2 $0x0  }
0x16: {  	s3 =	sld [smem:$0x3FDB];
	s0 =	simm.s32 @p2 $0x1  }
0x17: {  	s4 =	simm.s32 $0x1BF5;
	[smem:$0x3FBB] =	sst s0  }
0x18: {  	s0 =	sld [smem:$0x3F9E];
	_ =	swait.ge [sflag:s4], $0x0  }
0x19: {  	s7 =	sld [smem:$0x3F9F]  }
0x1a: {  	s8 =	sadd.s32 $0xFFFFE003, lr  }
0x1b: {  	s9 =	sadd.s32 $0xFFFFFEF7, lr;
	s5 =	simm.s32 $0xFFFFFFFF;
	p2 =	slt.u32 s8, $0xFFFFF086  }
0x1c: {  	p1 =	slt.u32 s9, $0xF7A;
	s5 =	simm.s32 @!p2 $0x0  }
0x1d: {  	s5 =	simm.s32 @p1 $0x1;
	p0 =	seq.s32 s7, s2  }
0x1e: {  	s7 =	smul.u32 @!p0 $0xF7A, s2;
	p2 =	seq.s32 @!p0 s5, $0x0  }
0x1f: {  	s9 =	smul.u32 $0xF7A, s1;
	s8 =	simm.s32 @!p0 $0x1BF5;
	p2 =	por !p2, p0  }
0x20: {  	[sflag:s8] =	ssyncset.s32 @!p0 $0xFFFFF086;
	s6 =	sadd.s32 @!p0 s3, s7;
	s7 =	simm.s32 @!p0 $0x108  }
0x21: {  	s3 =	sadd.s32 s3, s9;
	s6 =	sadd.s32 @!p0 $0x88, s6;
	s7 =	simm.s32 @p2 $0x1082  }
0x22: {  	[simem:s7], [sflag:s8] =	dma.local @!p0 [hbm:s6], $0xF7A  }
0x23: {  	s9 =	sor.u32 $0xD0000000, s2;
	s6 =	simm.s32 $0x108;
	_ =	swait.ge @!p0 [sflag:s8], $0x0  }
0x24: {  	s3 =	sadd.s32 $0x88, s3;
	s6 =	simm.s32 @!p1 $0x1082;
	[sflag:s4] =	ssyncset.s32 $0xFFFFF086  }
0x25: {  	[simem:s6], [sflag:s4] =	dma.local [hbm:s3], $0xF7A  }
0x26: {  	[smem:$0x3F9F] =	sst s1;
	(tag) =	ssettag s2;
	_ =	strace s9  }
0x27: {  	s1 =	sld [smem:$0x3FAF]  }
0x28: {  	s2 =	sld [smem:$0x3FB0]  }
0x29: {  	s4 =	sld [smem:$0x3FB2]  }
0x2a: {  	p0 =	seq.s32 s5, $0x0;
	s5 =	sld [smem:$0x3FB3]  }
0x2b: {  	s6 =	sld [smem:$0x3FB4]  }
0x2c: {  	s7 =	sld [smem:$0x3FB5]  }
0x2d: {  	s3 =	simm.s32 $0x108;
	s8 =	sld [smem:$0x3FB6]  }
0x2e: {  	s3 =	simm.s32 @!p0 $0x1082;
	s9 =	sld [smem:$0x3FB7]  }
0x2f: {  	lr =	sadd.s32 s0, s3;
	s0 =	sld [smem:$0x3FAE]  }
0x30: {  	s3 =	sld [smem:$0x3FB1]  }
0x31: {  	[smem:$0x3FBA] =	sst s10  }
0x32: {  	s10 =	sld [smem:$0x3FB8];
	_ =	sdelay $0x3  }
0x33: {  	p0 =	seq.s32 s10, $0x1;
	s10 =	sld [smem:$0x3FBA];
	_ =	sdelay $0x3  }
0x34: {  	[smem:$0x3FBA] =	sst s10  }
0x35: {  	s10 =	sld [smem:$0x3FB9];
	_ =	sdelay $0x3  }
0x36: {  	p1 =	seq.s32 s10, $0x1;
	s10 =	sld [smem:$0x3FBA];
	_ =	sdelay $0x3  }
0x37: {  	[smem:$0x3FBA] =	sst s10  }
0x38: {  	s10 =	sld [smem:$0x3FBB]  }
0x39: {  	_ = 	snop;
	(pc) =	sbr.ind lr, $3  }
0x3a: {  	_ = 	snop  }
0x3b: {  	_ = 	snop  }
0x3c: {  	p2 =	seq.s32 s10, $0x1;
	s10 =	sld [smem:$0x3FBA]  }
0x3d: {  	_ =	shalt  }
0x3e: {  	_ =	shalt  }
0x3f: {  	_ =	shalt  }
0x40: {  	_ =	shalt  }
0x41: {  	_ =	shalt  }
0x42: {  	_ =	shalt  }
0x43: {  	_ =	shalt  }
0x44: {  	_ =	shalt  }
0x45: {  	_ =	shalt  }
0x46: {  	_ =	shalt  }
0x47: {  	_ =	shalt  }
0x48: {  	_ =	shalt  }
0x49: {  	_ =	shalt  }
0x4a: {  	_ =	shalt  }
0x4b: {  	_ =	shalt  }
0x4c: {  	_ =	shalt  }
0x4d: {  	_ =	shalt  }
0x4e: {  	_ =	shalt  }
0x4f: {  	_ =	shalt  }
0x50: {  	_ =	shalt  }
0x51: {  	_ =	shalt  }
0x52: {  	_ =	shalt  }
0x53: {  	_ =	shalt  }
0x54: {  	_ =	shalt  }
0x55: {  	_ =	shalt  }
0x56: {  	_ =	shalt  }
0x57: {  	_ =	shalt  }
0x58: {  	_ =	shalt  }
0x59: {  	_ =	shalt  }
0x5a: {  	_ =	shalt  }
0x5b: {  	_ =	shalt  }
0x5c: {  	_ =	shalt  }
0x5d: {  	_ =	shalt  }
0x5e: {  	_ =	shalt  }
0x5f: {  	_ =	shalt  }
0x60: {  	_ =	shalt  }
0x61: {  	_ =	shalt  }
0x62: {  	_ =	shalt  }
0x63: {  	_ =	shalt  }
0x64: {  	_ =	shalt  }
0x65: {  	_ =	shalt  }
0x66: {  	_ =	shalt  }
0x67: {  	_ =	shalt  }
0x68: {  	_ =	shalt  }
0x69: {  	_ =	shalt  }
0x6a: {  	_ =	shalt  }
0x6b: {  	_ =	shalt  }
0x6c: {  	_ =	shalt  }
0x6d: {  	_ =	shalt  }
0x6e: {  	_ =	shalt  }
0x6f: {  	_ =	shalt  }
0x70: {  	_ =	shalt  }
0x71: {  	_ =	shalt  }
0x72: {  	_ =	shalt  }
0x73: {  	_ =	shalt  }
0x74: {  	_ =	shalt  }
0x75: {  	_ =	shalt  }
0x76: {  	_ =	shalt  }
0x77: {  	_ =	shalt  }
0x78: {  	_ =	shalt  }
0x79: {  	_ =	shalt  }
0x7a: {  	_ =	shalt  }
0x7b: {  	_ =	shalt  }
0x7c: {  	_ =	shalt  }
0x7d: {  	_ =	shalt  }
0x7e: {  	_ =	shalt  }
0x7f: {  	_ =	shalt  }
0x80: {  	_ =	shalt  }
0x81: {  	_ =	shalt  }
0x82: {  	_ =	shalt  }
0x83: {  	_ =	shalt  }
0x84: {  	_ =	shalt  }
0x85: {  	_ =	shalt  }
0x86: {  	_ =	shalt  }
0x87: {  	_ =	shalt  }
.Lfunc_end0:
.L_simem_size_0:
called_computation_lowered:
.L_overlay_start_0:
0x88: {  	s2 =	sld [smem:$0x3FD9]  }
0x89: {  	s3 =	sld [smem:$0x3FFE];
	_ =	sdelay $0x1  }
0x8a: {  	s1 =	srdreg.scid  }
0x8b: {  	s0 =	sand.u32 $0x1, s1  }
0x8c: {  	s17 =	sshll.u32 s0, $0xA;
	s2 =	sadd.s32 s3, s2  }
0x8d: {  	s2 =	sadd.s32 s2, s17  }
0x8e: {  	[smem:$0x3FC6] =	sst s2  }
0x8f: {  	_ = 	snop  }
0x90: {  	s2 =	sld [smem:$0x3FD0];
	(tm) =	ssettm $0x1  }
0x91: {  	s18 =	sld [smem:$0x3FFB];
	_ =	sdelay $0x3  }
0x92: {  	_ =	strace s18  }
0x93: {  	s3 =	sld [smem:$0x3FFC];
	_ =	sdelay $0x3  }
0x94: {  	_ =	strace s3  }
0x95: {  	s3 =	sld [smem:$0x3FFD];
	_ =	sdelay $0x3  }
0x96: {  	_ =	strace s3  }
0x97: {  	_ =	strace $0x8FFFFFFF  }
0x98: {  	s19 =	sld [smem:$0x3FDB];
	_ =	sdelay $0x1  }
0x99: {  	s4 =	simm.s32 $_scs_section_size  }
0x9a: {  	s5 =	simm.s32 $_size__tile_overlayer_lowered;
	s6 =	simm.s32 $_tile_overlayer_lowered  }
0x9b: {  	s22 =	simm.s32 $0x1BFF;
	s21 =	sshll.u32 s6, $0x1;
	s3 =	sadd.s32 s4, s19  }
0x9c: {  	s7 =	simm.s32 $0x0;
	s20 =	sshll.u32 s5, $0x1;
	s5 =	sadd.s32 s21, s3  }
0x9d: {  	[timem:s7], [sflag:s22] =	dma.local [hbm:s5], s20  }
0x9e: {  	_ =	swait.ge [sflag:s22], s20  }
0x9f: {  	s4 =	ssub.s32 $0x0, s20;
	[sflag:s22] =	ssyncset.done $0x0  }
0xa0: {  	[sflag:s22] =	ssyncadd.s32 s4;
	_ =	sdelay $0x1  }
0xa1: {  	s23 =	simm.s32 $0x1B8B  }
0xa2: {  	_ =	swait.ge [sflag:s23], $0x1  }
0xa3: {  	[sflag:s23] =	ssyncset.done $0x0  }
0xa4: {  	s25 =	simm.s32 $0x1B8E;
	s24 =	sld [smem:$0x3FFE];
	[sflag:s23] =	ssyncadd.s32 $0xFFFFFFFF  }
0xa5: {  	s26 =	simm.s32 $execute0_lowered;
	[smem:$0x3FD2] =	sst s25  }
0xa6: {  	s5 =	sshll.u32 s26, $0x1;
	_ =	strace $0x80000046;
	[dreg:$0x1] =	wrdreg $0xFFFFFFFF  }
0xa7: {  	s28 =	simm.s32 $_size_execute0_lowered;
	s3 =	sadd.s32 s3, s5;
	[dreg:$0x0] =	wrdreg $0x0  }
0xa8: {  	s5 =	sshll.u32 s28, $0x1;
	[dreg:$0x2] =	wrdreg s3  }
0xa9: {  	[dreg:$0x3] =	wrdreg s5  }
0xaa: {  	[dreg:$0x4] =	wrdreg $0xC0  }
0xab: {  	_ =	task [dreg:s7], $0x5FFFF  }
0xac: {  	[dreg:$0x1] =	wrdreg $0xFFFFFFFF  }
0xad: {  	[dreg:$0x0] =	wrdreg $0x60  }
0xae: {  	[dreg:$0x2] =	wrdreg s24  }
0xaf: {  	[dreg:$0x3] =	wrdreg s2  }
0xb0: {  	[dreg:$0x4] =	wrdreg $0x9  }
0xb1: {  	_ =	task.clear_ibuf [dreg:s7], $0x5FFFF;
	_ =	strace $0x90000046  }
0xb2: {  	s29 =	simm.s32 $0x9;
	_ =	strace $0x80000048  }
0xb3: {  	_ =	swait.ge [sflag:s29], $0x1  }
0xb4: {  	[sflag:s29] =	ssyncadd.s32 $0xFFFFFFFF  }
0xb5: {  	_ =	strace $0x90000048  }
0xb6: {  	_ =	sfence  }
0xb7: {  	s30 =	sld [smem:$0x0];
	_ =	sdelay $0x2  }
0xb8: {  	s31 =	sshll.u32 s1, $0xD;
	s1 =	sshrl.u32 s1, $0x2  }
0xb9: {  	s3 =	sand.u32 $0x4000, s31;
	s1 =	sadd.s32 s1, s30  }
0xba: {  	s0 =	sor.u32 s3, s0;
	s1 =	sshll.u32 s1, $0x11  }
0xbb: {  	s0 =	sor.u32 s1, s0  }
0xbc: {  	s0 =	sadd.s32 $0x8F2B, s0  }
0xbd: {  	[sflag:s0] =	ssyncadd.remote.s32 $0x1  }
0xbe: {  	_ =	sfence.sel $0xFFFF  }
0xbf: {  	[dreg:$0x0] =	wrdreg $0xFFFFFFFF;
	(pc) =	sbr.abs _section_cstart, $3  }
0xc0: {  	[dreg:$0x1] =	wrdreg $0xFFFFFFFF  }
0xc1: {  	_ =	task.clear_ibuf [dreg:s7], $0x2FFFF;
	_ =	strace $0x9FFFFFFF  }
0xc2: {  	(tm) =	ssettm $0x7FFFFFFF  }
0xc3: {  	_ =	shalt  }
tec
execute0_lowered:
.L_overlay_start_1:
0x0: {  	(tag) =	ssettag $0x1  }
0x1: {  	s0 =	srdreg.scid  }
0x2: {  	s1 =	sshll.u32 s0, $0x4  }
0x3: {  	s0 =	stileid.u32;
	s1 =	sand.u32 $0x10, s1  }
0x4: {  	s2 =	sor.u32 s0, s1  }
0x5: {  	s1 =	smin.u32 s2, $0x12  }
0x6: {  	s1 =	sadd.s32 s2, s1  }
0x7: {  	p0 =	slt.u32 s2, $0x12;
	s2 =	simm.s32 $0x140;
	s1 =	smul.u32 $0xA0, s1  }
0x8: {  	s2 =	simm.s32 @!p0 $0xA0  }
0x9: {  	s2 =	sadd.s32 s2, s1  }
0xa: {  	s3 =	smin.u32 s2, $0x1F40  }
0xb: {  	s7 =	ssub.s32 s3, s1  }
0xc: {  	p0 =	sgt.s32 s7, $0x0  }
0xd: {  	s7 =	simm.s32 @!p0 $0x0  }
0xe: {  	s4 =	rddreg [dreg:$0x0];
	s31 =	smul.u32 $0xCCCD, s7  }
0xf: {  	s5 =	rddreg [dreg:$0x1]  }
0x10: {  	s6 =	simm.s32 $0x1;
	s10 =	simm.s32 $0x3;
	s8 =	sshrl.u32 s31, $0x17  }
0x11: {  	s13 =	simm.s32 $0x0;
	s12 =	simm.s32 $0x0;
	s9 =	smul.u32 $0xA0, s8  }
.Ltmp0:
0x12: {  	s11 =	smov.u32 s1;
	s2 =	rddreg [dreg:$0x2];
	(pc) =	sbr.rel .LBB2_1-.Ltmp0, $4  }
0x13: {  	_ =	strace $0x80000047;
	p0 =	sne.s32 s7, s9;
	s9 =	simm.s32 $0x1  }
0x14: {  	[sflag:s6] =	ssyncpa.u1 $0x0;
	s7 =	simm.s32 $0x2;
	s9 =	simm.s32 @!p0 $0x0  }
0x15: {  	[sflag:s7] =	ssyncpa.u1 $0x0;
	p0 =	por $0x0, $0x0;
	s8 =	sadd.s32 s8, s9  }
0x16: {  	vm0 =	vmmov $0xff;
	vm1 =	vcmask $0x3F20;
	s9 =	sadd.s32 $0x138800, s4;
	[sflag:s10] =	ssyncpa.u1 $0x0;
	s10 =	sadd.s32 $0x1, s8  }
.LBB2_6:
0x17: {  	[hbm:s17] =	stream.linear.scatter [tilespmem:s14], [sflag:$0x3], $0x400, $0x38;
	[tilespmem:$0xA140] =	vst v63  }
.LBB2_7:
0x18: {  	s13 =	sadd.s32 $0xA0, s11  }
0x19: {  	s15 =	smov.u32 s1;
	p2 =	slt.s32 s13, s3  }
0x1a: {  	s15 =	smov.u32 @p2 s13;
	p2 =	sne.s32 s12, s10  }
.Ltmp1:
0x1b: {  	p1 =	slt.u32 s12, $0x2;
	(pc) =	sbr.rel @!p2 .LBB2_8-.Ltmp1, $4  }
0x1c: {  	s14 =	simm.s32 @!p1 $0x3  }
0x1d: {  	s16 =	sadd.s32 $0x1, s12;
	_ =	swait.ge @!p1 [sflag:s14], $0x5000  }
0x1e: {  	p0 =	por !p0, !p0;
	s13 =	smov.u32 s11;
	[sflag:s14] =	ssyncset.done @!p1 $0x0  }
0x1f: {  	s12 =	smov.u32 s16;
	s11 =	smov.u32 s15;
	[sflag:s14] =	ssyncadd.s32 @!p1 $0xFFFFB000  }
.LBB2_1:
0x20: {  	p1 =	sge.u32 s12, s8  }
0x21: {  	s14 =	sxor.u32 @!p1 $0xFFFFFFFF, s12  }
0x22: {  	s14 =	sand.u32 @!p1 $0x1, s14  }
0x23: {  	s14 =	smul.u32 @!p1 $0x280, s14  }
0x24: {  	s31 =	sadd.s32 $0xFFFFFFFF, s12;
	s15 =	sshrl.u32 @!p1 s11, $0x3  }
0x25: {  	s16 =	sand.u32 @!p1 $0x7, s11;
	s15 =	sadd.s32 @!p1 s5, s15;
	s14 =	sshrl.u32 @!p1 s14, $0x2  }
0x26: {  	[tilespmem:s14], [sflag:$0x2] =	stream.linear.gather @!p1 [hbm4b:s15+s16], $0xA0, $0x38;
	[tilespmem:$0xA140] =	vst v63  }
0x27: {  	p1 =	sge.u32 s31, s8  }
.Ltmp2:
0x28: {  	_ = 	snop;
	(pc) =	sbr.rel @p1 .LBB2_7-.Ltmp2, $1  }
0x29: {  	_ =	sdelay $0x3  }
0x2a: {  	s14 =	simm.s32 $0x1  }
0x2b: {  	s14 =	simm.s32 @!p0 $0x0  }
0x2c: {  	s15 =	smul.u32 $0x280, s14  }
0x2d: {  	_ =	swait.ge [sflag:s7], $0xA0  }
0x2e: {  	[sflag:s7] =	ssyncset.done $0x0;
	s16 =	sshrl.u32 s15, $0x2  }
0x2f: {  	[sflag:s7] =	ssyncadd.s32 $0xFFFFFF60;
	s15 =	sadd.s32 $0x0, s16  }
0x30: {  	v0 =	vld.msk [tilespmem:s15+$0x0 ss:$0x1], $0xffff;
	_ =	sdelay $0x4  }
0x31: {  	v1 =	vand.u32 $0x3, v0;
	v2 =	vshll.u32 v0, $0x5  }
0x32: {  	vm2 =	veq.s32 v0, $0x80000000;
	v0 =	vmul.u32 $0x271000, v1;
	v1 =	vand.u32 $0x3FFF80, v2  }
0x33: {  	v1 =	vsel vm2, $0xFFFFFF80, v1  }
0x34: {  	v0 =	vsel vm2, $0xFFD8F000, v0;
	v2 =	vand.u32 $0xFFFFFC00, v1  }
0x35: {  	v1 =	vand.u32 $0x380, v1;
	v0 =	vadd.s32 v0, v2  }
0x36: {  	v0 =	vor.u32 v1, v0  }
0x37: {  	v0 =	vshrl.u32 v0, $0x3  }
0x38: {  	s14 =	smul.u32 $0x14000, s14;
	_ =	sdelay $0x1  }
0x39: {  	s14 =	sshrl.u32 s14, $0x2  }
0x3a: {  	s14 =	sor.u32 $0x140, s14  }
0x3b: {  	[tilespmem:s14], [sflag:$0x1] =	stream.indirect_vreg.gather [hbm:s4], $0x80, v0, vm0, $0x38;
	[tilespmem:$0xA140] =	vst v63  }
0x3c: {  	s17 =	sadd.s32 $0x10, s16;
	s15 =	sadd.s32 $0x400, s14  }
0x3d: {  	[tilespmem:s15], [sflag:$0x1] =	stream.indirect_vreg.gather [hbm:s4], $0x80, v0, vm1, $0x38;
	[tilespmem:$0xA140] =	vst v63  }
0x3e: {  	s18 =	simm.s32 $0x80;
	v0 =	vld.msk [tilespmem:s17+$0x0 ss:$0x1], $0xffff;
	s17 =	smov.u32 s14  }
.LBB2_3:
0x3f: {  	p1 =	sne.s32 s18, $0x240;
	_ =	sdelay $0x4  }
0x40: {  	v1 =	vand.u32 $0x3, v0;
	v2 =	vshll.u32 v0, $0x5  }
0x41: {  	vm2 =	veq.s32 v0, $0x80000000;
	v0 =	vmul.u32 $0x271000, v1;
	v1 =	vand.u32 $0x3FFF80, v2  }
0x42: {  	v1 =	vsel vm2, $0xFFFFFF80, v1  }
0x43: {  	v0 =	vsel vm2, $0xFFD8F000, v0;
	v2 =	vand.u32 $0xFFFFFC00, v1  }
0x44: {  	v1 =	vand.u32 $0x380, v1;
	v0 =	vadd.s32 v0, v2  }
0x45: {  	v0 =	vor.u32 v1, v0  }
0x46: {  	v0 =	vshrl.u32 v0, $0x3;
	_ =	sdelay $0x3  }
.Ltmp3:
0x47: {  	s19 =	sshra.s32 s18, $0x2;
	s17 =	sadd.s32 $0x800, s17;
	(pc) =	sbr.rel @p1 .LBB2_3-.Ltmp3, $4  }
0x48: {  	[tilespmem:s17], [sflag:$0x1] =	stream.indirect_vreg.gather [hbm:s4], $0x80, v0, vm0, $0x38;
	[tilespmem:$0xA140] =	vst v63  }
0x49: {  	s19 =	sadd.s32 s19, s16;
	s20 =	sadd.s32 $0x400, s17  }
0x4a: {  	[tilespmem:s20], [sflag:$0x1] =	stream.indirect_vreg.gather [hbm:s4], $0x80, v0, vm1, $0x38;
	[tilespmem:$0xA140] =	vst v63  }
0x4b: {  	s18 =	sadd.s32 $0x40, s18;
	v0 =	vld.msk [tilespmem:s19+$0x0 ss:$0x1], $0xffff  }
0x4c: {  	_ =	sdelay $0x3  }
0x4d: {  	v1 =	vand.u32 $0x3, v0;
	v2 =	vshll.u32 v0, $0x5  }
0x4e: {  	vm2 =	veq.s32 v0, $0x80000000;
	v61 =	vmul.u32 $0x271000, v1;
	v62 =	vand.u32 $0x3FFF80, v2  }
0x4f: {  	v1 =	vsel vm2, $0xFFFFFF80, v62  }
0x50: {  	v0 =	vsel vm2, $0xFFD8F000, v61;
	v63 =	vand.u32 $0xFFFFFC00, v1  }
0x51: {  	v1 =	vand.u32 $0x380, v1;
	v0 =	vadd.s32 v0, v63  }
0x52: {  	v0 =	vor.u32 v1, v0  }
0x53: {  	v0 =	vshrl.u32 v0, $0x3;
	_ =	sdelay $0x3  }
0x54: {  	s16 =	sadd.s32 $0x800, s17  }
0x55: {  	[tilespmem:s16], [sflag:$0x1] =	stream.indirect_vreg.gather [hbm:s4], $0x80, v0, vm0, $0x38;
	[tilespmem:$0xA140] =	vst v63  }
0x56: {  	s16 =	sadd.s32 $0x400, s16  }
0x57: {  	[tilespmem:s16], [sflag:$0x1] =	stream.indirect_vreg.gather [hbm:s4], $0x80, v0, vm1, $0x38;
	[tilespmem:$0xA140] =	vst v63  }
0x58: {  	s13 =	sshll.u32 s13, $0x4;
	_ =	swait.ge [sflag:s6], $0x5000  }
0x59: {  	s13 =	sadd.s32 s13, s9;
	[sflag:s6] =	ssyncset.done $0x0  }
0x5a: {  	s17 =	sadd.s32 $0x0, s13;
	s16 =	simm.s32 $0x80;
	[sflag:s6] =	ssyncadd.s32 $0xFFFFB000  }
.LBB2_5:
0x5b: {  	[hbm:s17] =	stream.linear.scatter [tilespmem:s14], [sflag:$0x3], $0x400, $0x38;
	[tilespmem:$0xA140] =	vst v63  }
0x5c: {  	s17 =	smov.u32 s16;
	s14 =	smov.u32 s15;
	p1 =	sne.s32 s16, $0x980  }
.Ltmp4:
0x5d: {  	s16 =	sadd.s32 $0x80, s16;
	(pc) =	sbr.rel @p1 .LBB2_5-.Ltmp4, $2  }
0x5e: {  	_ =	sdelay $0x2  }
0x5f: {  	s15 =	sadd.s32 $0x400, s15;
	s17 =	sadd.s32 s17, s13  }
.Ltmp5:
0x60: {  	_ = 	snop;
	(pc) =	sbr.rel .LBB2_6-.Ltmp5, $1  }
0x61: {  	_ =	sdelay $0x3  }
.LBB2_8:
0x62: {  	_ =	sfence.sel $0x180000  }
0x63: {  	s1 =	simm.s32 $0x2;
	[bflag:$0x0] =	sbarrier.arrive $0xFFFF  }
0x64: {  	s30 =	simm.s32 $0x3;
	[sflag:s1] =	ssyncpa.u1 $0x1  }
0x65: {  	s31 =	simm.s32 $0x1;
	[sflag:s30] =	ssyncpa.u1 $0x1  }
0x66: {  	[sflag:s31] =	ssyncpa.u1 $0x1  }
0x67: {  	p0 =	sne.s32 s0, $0x0;
	_ =	strace $0x90000047  }
0x68: {  	s0 =	sadd.s32 @!p0 $0x100000, s2;
	[bflag:$0x2] =	sbarrier.arrive $0xFFFF  }
0x69: {  	[sflag:s0] =	ssyncadd.tile.s32 @!p0 $0x1;
	_ =	shalt  }
.Lfunc_end2:
_tile_overlayer_lowered:
.L_overlay_start_2:
0x6a: {  	(tag) =	ssettag $0x2  }
0x6b: {  	s0 =	rddreg [dreg:$0x0];
	s2 =	stileid.u32  }
0x6c: {  	s1 =	rddreg [dreg:$0x1];
	p0 =	sne.s32 s2, $0x0  }
0x6d: {  	s3 =	rddreg [dreg:$0x2];
	[bflag:$0x3] =	sbarrier.arrive $0xFFFF;
	s2 =	simm.s32 @!p0 $0x1C01  }
0x6e: {  	[timem:s3], [sflag:s2] =	dma.local @!p0 [hbm:s0], s1  }
0x6f: {  	s0 =	simm.s32 @!p0 $0x1  }
0x70: {  	_ =	swait.ge @!p0 [sflag:s0], s1  }
0x71: {  	s1 =	ssub.s32 @!p0 $0x0, s1;
	[sflag:s0] =	ssyncset.done @!p0 $0x0  }
0x72: {  	[sflag:s0] =	ssyncadd.s32 @!p0 s1  }
0x73: {  	[bflag:$0x3] =	sbarrier.arrive $0xFFFF  }
0x74: {  	_ =	shalt  }

</sc_bundles>
